<compile_context>
chip_gen: v7x
topology: tpu7x:2x2x1
jax: 0.10.2.dev20260603
libtpu: 0.0.44.dev20260713+nightly
codegen_flags: <defaults>
</compile_context>

<pallas_src>
import functools

import jax
import jax.numpy as jnp
from jax import lax
from jax.experimental import pallas as pl
from jax.experimental.pallas import tpu as pltpu
from jax.experimental.pallas import tpu_sc as plsc

N = 10000
E = 160000
B = 4
D_IN = 256
H = 128

NPAD = 10240
DUMMY = 10016
NTILES = 16
CHUNK = 128
NCHUNK = 79
EPT = NCHUNK * CHUNK
NODES_PER_TILE = NPAD // NTILES
OUT_PER_TILE = NPAD // 2 // NTILES


def _rsqrt16(d):
    t = d
    for _ in range(14):
        t = 0.5 * (t + d / t)
    return 1.0 / t


def _sc_body(src_hbm, dst_hbm, out_hbm,
             src_v, dst_v, ones_v, vals_v, dbuf, nbuf, sbuf, ibuf, cbuf,
             deg_out_sh, deg_in_sh, s_sh):
    cid = lax.axis_index("c")
    sid = lax.axis_index("s")

    pltpu.sync_copy(src_hbm.at[sid], src_v)
    pltpu.sync_copy(dst_hbm.at[sid], dst_v)

    def _init_ones(j, carry):
        ones_v[pl.ds(j * 16, 16)] = jnp.full((16,), 1.0, jnp.float32)
        return carry
    lax.fori_loop(0, CHUNK // 16, _init_ones, 0)

    def _init_zero(j, carry):
        dbuf[pl.ds(j * 16, 16)] = jnp.zeros((16,), jnp.float32)
        return carry
    lax.fori_loop(0, NODES_PER_TILE // 16, _init_zero, 0)

    nb = sid * NODES_PER_TILE
    pltpu.sync_copy(dbuf, deg_out_sh.at[pl.ds(nb, NODES_PER_TILE)])
    pltpu.sync_copy(dbuf, deg_in_sh.at[pl.ds(nb, NODES_PER_TILE)])
    pltpu.sync_copy(dbuf, s_sh.at[pl.ds(nb, NODES_PER_TILE)])
    plsc.subcore_barrier()

    def _count(j, carry):
        pltpu.sync_copy(ones_v, deg_out_sh.at[src_v.at[j]], add=True)
        pltpu.sync_copy(ones_v, deg_in_sh.at[dst_v.at[j]], add=True)
        return carry
    lax.fori_loop(0, NCHUNK, _count, 0)
    plsc.subcore_barrier()

    pltpu.sync_copy(deg_out_sh.at[pl.ds(nb, NODES_PER_TILE)], dbuf)
    def _norm_out(j, carry):
        d = jnp.maximum(dbuf[pl.ds(j * 16, 16)], 1.0)
        nbuf[pl.ds(j * 16, 16)] = _rsqrt16(d)
        return carry
    lax.fori_loop(0, NODES_PER_TILE // 16, _norm_out, 0)
    pltpu.sync_copy(nbuf, deg_out_sh.at[pl.ds(nb, NODES_PER_TILE)])

    pltpu.sync_copy(deg_in_sh.at[pl.ds(nb, NODES_PER_TILE)], dbuf)
    lax.fori_loop(0, NODES_PER_TILE // 16, _norm_out, 0)
    pltpu.sync_copy(nbuf, deg_in_sh.at[pl.ds(nb, NODES_PER_TILE)])
    plsc.subcore_barrier()

    def _accum(j, carry):
        pltpu.sync_copy(deg_out_sh.at[src_v.at[j]], vals_v)
        pltpu.sync_copy(vals_v, s_sh.at[dst_v.at[j]], add=True)
        return carry
    lax.fori_loop(0, NCHUNK, _accum, 0)
    plsc.subcore_barrier()

    ob = cid * (NPAD // 2) + sid * OUT_PER_TILE
    pltpu.sync_copy(s_sh.at[pl.ds(ob, OUT_PER_TILE)], sbuf)
    pltpu.sync_copy(deg_in_sh.at[pl.ds(ob, OUT_PER_TILE)], ibuf)
    def _mul(j, carry):
        cbuf[pl.ds(j * 16, 16)] = sbuf[pl.ds(j * 16, 16)] * ibuf[pl.ds(j * 16, 16)]
        return carry
    lax.fori_loop(0, OUT_PER_TILE // 16, _mul, 0)
    pltpu.sync_copy(cbuf, out_hbm.at[pl.ds(ob, OUT_PER_TILE)])


@functools.cache
def _make_sc_compute_c():
    return functools.partial(
        pl.kernel,
        out_type=jax.ShapeDtypeStruct((NPAD,), jnp.float32),
        mesh=plsc.VectorSubcoreMesh(core_axis_name="c", subcore_axis_name="s"),
        scratch_types=[
            pltpu.VMEM((NCHUNK, CHUNK), jnp.int32),
            pltpu.VMEM((NCHUNK, CHUNK), jnp.int32),
            pltpu.VMEM((CHUNK,), jnp.float32),
            pltpu.VMEM((CHUNK,), jnp.float32),
            pltpu.VMEM((NODES_PER_TILE,), jnp.float32),
            pltpu.VMEM((NODES_PER_TILE,), jnp.float32),
            pltpu.VMEM((OUT_PER_TILE,), jnp.float32),
            pltpu.VMEM((OUT_PER_TILE,), jnp.float32),
            pltpu.VMEM((OUT_PER_TILE,), jnp.float32),
            pltpu.VMEM_SHARED((NPAD,), jnp.float32),
            pltpu.VMEM_SHARED((NPAD,), jnp.float32),
            pltpu.VMEM_SHARED((NPAD,), jnp.float32),
        ],
    )(_sc_body)


BN = 1000


def _tc_body(c_ref, x_ref, wr_ref, br_ref, wz_ref, bz_ref, wh_ref, bh_ref,
             wg_ref, bg_ref, o_ref):
    f32 = jnp.float32
    xm = x_ref[...]
    bgv = bg_ref[...][None, :]
    xr = jnp.dot(xm, wr_ref[...], preferred_element_type=f32) + br_ref[...][None, :]
    xz = jnp.dot(xm, wz_ref[...], preferred_element_type=f32) + bz_ref[...][None, :]
    xh = jnp.dot(xm, wh_ref[...], preferred_element_type=f32) + bh_ref[...][None, :]
    r0 = jax.nn.sigmoid(xr + bgv)
    z0 = jax.nn.sigmoid(xz + bgv)
    h1 = z0 * jnp.tanh(xh + r0 * bgv)
    g = jnp.dot(h1, wg_ref[...], preferred_element_type=f32)
    cb = c_ref[...]
    for b in range(B):
        hc = g[b:b + 1, :] * cb + bgv
        rb = jax.nn.sigmoid(xr[b:b + 1, :] + hc)
        zb = jax.nn.sigmoid(xz[b:b + 1, :] + hc)
        ht = jnp.tanh(xh[b:b + 1, :] + rb * hc)
        h2 = (1.0 - zb) * h1[b:b + 1, :] + zb * ht
        o_ref[b, 0] = jnp.broadcast_to(h1[b:b + 1, :], (BN, H))
        o_ref[b, 1] = h2


def _tc_gru(c2, x, Wr, br, Wz, bz, Wh, bh, Wg, bg):
    full2 = lambda i: (0, 0)
    full1 = lambda i: (0,)
    return pl.pallas_call(
        _tc_body,
        grid=(N // BN,),
        in_specs=[
            pl.BlockSpec((BN, 1), lambda i: (i, 0)),
            pl.BlockSpec((B, D_IN), full2),
            pl.BlockSpec((D_IN, H), full2),
            pl.BlockSpec((H,), full1),
            pl.BlockSpec((D_IN, H), full2),
            pl.BlockSpec((H,), full1),
            pl.BlockSpec((D_IN, H), full2),
            pl.BlockSpec((H,), full1),
            pl.BlockSpec((H, H), full2),
            pl.BlockSpec((H,), full1),
        ],
        out_specs=pl.BlockSpec((B, 2, BN, H), lambda i: (0, 0, i, 0)),
        out_shape=jax.ShapeDtypeStruct((B, 2, N, H), jnp.float32),
    )(c2, x, Wr, br, Wz, bz, Wh, bh, Wg, bg)


def kernel(x, edge_index, Wr, br, Wz, bz, Wh, bh, Wg, bg):
    src = edge_index[0]
    dst = edge_index[1]
    pad = jnp.full((NTILES * EPT - E,), DUMMY, jnp.int32)
    src_r = jnp.concatenate([src, pad]).reshape(NTILES, NCHUNK, CHUNK)
    dst_r = jnp.concatenate([dst, pad]).reshape(NTILES, NCHUNK, CHUNK)
    c = _make_sc_compute_c()(src_r, dst_r)
    c2 = c[:N].reshape(N, 1)
    out4 = _tc_gru(c2, x, Wr, br, Wz, bz, Wh, bh, Wg, bg)
    return out4.reshape(B, -1)

# --- scband reference (transcript-rebuilt; emitter-appended) ---
"""Pipeline reference for scband-graph-conv-gru-82669530513658 (READ-ONLY COPY).

The authoritative reference and input builder live on the scoring server;
editing this copy changes nothing except your own understanding.
"""

import jax, jax.numpy as jnp
import numpy as np

N = 10000
E = 160000
B = 4
D_IN = 256
H = 128
SEQ = 2


def setup_inputs(seed: int = 0) -> dict:
    key = jax.random.key(seed)
    ks = jax.random.split(key, 12)
    x = jax.random.normal(ks[0], (B, D_IN), dtype=jnp.float32)
    edge_index = jax.random.randint(ks[1], (2, E), 0, N, dtype=jnp.int32)
    s_in = 1.0 / np.sqrt(D_IN)
    s_h = 1.0 / np.sqrt(H)
    Wr = jax.random.uniform(ks[2], (D_IN, H), jnp.float32, -s_in, s_in)
    br = jax.random.uniform(ks[3], (H,), jnp.float32, -s_in, s_in)
    Wz = jax.random.uniform(ks[4], (D_IN, H), jnp.float32, -s_in, s_in)
    bz = jax.random.uniform(ks[5], (H,), jnp.float32, -s_in, s_in)
    Wh = jax.random.uniform(ks[6], (D_IN, H), jnp.float32, -s_in, s_in)
    bh = jax.random.uniform(ks[7], (H,), jnp.float32, -s_in, s_in)
    Wg = jax.random.uniform(ks[8], (H, H), jnp.float32, -s_h, s_h)
    bg = jnp.zeros((H,), dtype=jnp.float32)
    return {"x": x, "edge_index": edge_index, "Wr": Wr, "br": br, "Wz": Wz, "bz": bz, "Wh": Wh, "bh": bh, "Wg": Wg, "bg": bg}


def reference(x, edge_index, Wr, br, Wz, bz, Wh, bh, Wg, bg):
    src = edge_index[0]
    dst = edge_index[1]
    # DGL GraphConv norm='both' with degree clamped to >= 1
    deg_out = jnp.bincount(src, length=N).astype(jnp.float32)
    deg_in = jnp.bincount(dst, length=N).astype(jnp.float32)
    norm_out = jnp.maximum(deg_out, 1.0) ** -0.5
    norm_in = jnp.maximum(deg_in, 1.0) ** -0.5
    offsets = jnp.arange(B, dtype=src.dtype) * N
    src_b = (src[None, :] + offsets[:, None]).reshape(-1)
    dst_b = (dst[None, :] + offsets[:, None]).reshape(-1)
    norm_out_b = jnp.tile(norm_out, B)
    norm_in_b = jnp.tile(norm_in, B)
    xr = x @ Wr + br
    xz = x @ Wz + bz
    xh = x @ Wh + bh
    h = jnp.zeros((B, N, H), dtype=jnp.float32)
    outs = []
    for _t in range(SEQ):
        hf = h.reshape(B * N, H)
        feat = (hf @ Wg) * norm_out_b[:, None]
        agg = jnp.zeros((B * N, H), dtype=jnp.float32).at[dst_b].add(feat[src_b])
        h_conv = (agg * norm_in_b[:, None] + bg).reshape(B, N, H)
        r_t = jax.nn.sigmoid(xr[:, None, :] + h_conv)
        z_t = jax.nn.sigmoid(xz[:, None, :] + h_conv)
        h_tilde = jnp.tanh(xh[:, None, :] + r_t * h_conv)
        h = (1 - z_t) * h + z_t * h_tilde
        outs.append(h[:, None])
    out = jnp.concatenate(outs, axis=1)
    return out.reshape(B, -1)

if __name__ == "__main__":
    import jax
    _d = setup_inputs()
    print(jax.jit(kernel)(*tuple(_d.values())))

</pallas_src>

<mosaic_0001>
#map = affine_map<(d0, d1) -> (0, 0, 0)>
#map1 = affine_map<(d0, d1) -> (0)>
module attributes {stable_mosaic.version = 14 : i64} {
  func.func @_sc_body(%arg0: i32, %arg1: i32, %arg2: memref<16x79x128xi32, #tpu.memory_space<hbm>>, %arg3: memref<16x79x128xi32, #tpu.memory_space<hbm>>, %arg4: memref<10240xf32, #tpu.memory_space<hbm>>, %arg5: memref<79x128xi32, #tpu.memory_space<vmem>>, %arg6: memref<79x128xi32, #tpu.memory_space<vmem>>, %arg7: memref<128xf32, #tpu.memory_space<vmem>>, %arg8: memref<128xf32, #tpu.memory_space<vmem>>, %arg9: memref<640xf32, #tpu.memory_space<vmem>>, %arg10: memref<640xf32, #tpu.memory_space<vmem>>, %arg11: memref<320xf32, #tpu.memory_space<vmem>>, %arg12: memref<320xf32, #tpu.memory_space<vmem>>, %arg13: memref<320xf32, #tpu.memory_space<vmem>>, %arg14: memref<10240xf32, #tpu.memory_space<vmem_shared>>, %arg15: memref<10240xf32, #tpu.memory_space<vmem_shared>>, %arg16: memref<10240xf32, #tpu.memory_space<vmem_shared>>) attributes {dimension_semantics = [#tpu.dimension_semantics<core_parallel>, #tpu.dimension_semantics<subcore_parallel>], iteration_bounds = array<i64: 2, 16>, scalar_prefetch = 0 : i64, scratch_operands = 12 : i64, tpu.core_type = #tpu.core_type<sc_vector_subcore>, window_params = [{transform_indices = #map}, {transform_indices = #map}, {transform_indices = #map1}]} {
    "tpu.region"() ({
      %run_scoped3A = tpu.sem_alloc : memref<!tpu.dma_semaphore, #tpu.memory_space<semaphore_mem>>
      %dma_start3A = arith.constant 0 : i32
      %dma_start3A_49 = arith.constant 0 : i32
      %dma_start3A_50 = tpu.memref_slice %arg2[%arg1, %dma_start3A, %dma_start3A_49] : memref<16x79x128xi32, #tpu.memory_space<hbm>> -> memref<1x79x128xi32, #tpu.memory_space<hbm>>
      %dma_start3A_51 = tpu.memref_squeeze %dma_start3A_50 : memref<1x79x128xi32, #tpu.memory_space<hbm>> -> memref<79x128xi32, #tpu.memory_space<hbm>>
      %dma_start3A_52 = arith.constant 0 : i32
      %dma_start3A_53 = arith.constant 0 : i32
      %dma_start3A_54 = tpu.memref_slice %arg2[%arg1, %dma_start3A_52, %dma_start3A_53] : memref<16x79x128xi32, #tpu.memory_space<hbm>> -> memref<1x79x128xi32, #tpu.memory_space<hbm>>
      %dma_start3A_55 = tpu.memref_squeeze %dma_start3A_54 : memref<1x79x128xi32, #tpu.memory_space<hbm>> -> memref<79x128xi32, #tpu.memory_space<hbm>>
      tpu.enqueue_dma source(%dma_start3A_55 : memref<79x128xi32, #tpu.memory_space<hbm>>) target(%arg5 : memref<79x128xi32, #tpu.memory_space<vmem>>) target_semaphore(%run_scoped3A : memref<!tpu.dma_semaphore, #tpu.memory_space<semaphore_mem>>)
      %dma_wait3A = arith.constant 0 : i32
      %dma_wait3A_56 = arith.constant 0 : i32
      %dma_wait3A_57 = tpu.memref_slice %arg2[%arg1, %dma_wait3A, %dma_wait3A_56] : memref<16x79x128xi32, #tpu.memory_space<hbm>> -> memref<1x79x128xi32, #tpu.memory_space<hbm>>
      %dma_wait3A_58 = tpu.memref_squeeze %dma_wait3A_57 : memref<1x79x128xi32, #tpu.memory_space<hbm>> -> memref<79x128xi32, #tpu.memory_space<hbm>>
      %dma_wait3A_59 = arith.constant 0 : i32
      %dma_wait3A_60 = arith.constant 0 : i32
      %dma_wait3A_61 = tpu.memref_slice %arg2[%arg1, %dma_wait3A_59, %dma_wait3A_60] : memref<16x79x128xi32, #tpu.memory_space<hbm>> -> memref<1x79x128xi32, #tpu.memory_space<hbm>>
      %dma_wait3A_62 = tpu.memref_squeeze %dma_wait3A_61 : memref<1x79x128xi32, #tpu.memory_space<hbm>> -> memref<79x128xi32, #tpu.memory_space<hbm>>
      tpu.wait_dma2 semaphore(%run_scoped3A : memref<!tpu.dma_semaphore, #tpu.memory_space<semaphore_mem>>) src(%dma_wait3A_62 : memref<79x128xi32, #tpu.memory_space<hbm>>) dst(%arg5 : memref<79x128xi32, #tpu.memory_space<vmem>>)
      tpu.yield
    }) : () -> ()
    "tpu.region"() ({
      %run_scoped3A = tpu.sem_alloc : memref<!tpu.dma_semaphore, #tpu.memory_space<semaphore_mem>>
      %dma_start3A = arith.constant 0 : i32
      %dma_start3A_49 = arith.constant 0 : i32
      %dma_start3A_50 = tpu.memref_slice %arg3[%arg1, %dma_start3A, %dma_start3A_49] : memref<16x79x128xi32, #tpu.memory_space<hbm>> -> memref<1x79x128xi32, #tpu.memory_space<hbm>>
      %dma_start3A_51 = tpu.memref_squeeze %dma_start3A_50 : memref<1x79x128xi32, #tpu.memory_space<hbm>> -> memref<79x128xi32, #tpu.memory_space<hbm>>
      %dma_start3A_52 = arith.constant 0 : i32
      %dma_start3A_53 = arith.constant 0 : i32
      %dma_start3A_54 = tpu.memref_slice %arg3[%arg1, %dma_start3A_52, %dma_start3A_53] : memref<16x79x128xi32, #tpu.memory_space<hbm>> -> memref<1x79x128xi32, #tpu.memory_space<hbm>>
      %dma_start3A_55 = tpu.memref_squeeze %dma_start3A_54 : memref<1x79x128xi32, #tpu.memory_space<hbm>> -> memref<79x128xi32, #tpu.memory_space<hbm>>
      tpu.enqueue_dma source(%dma_start3A_55 : memref<79x128xi32, #tpu.memory_space<hbm>>) target(%arg6 : memref<79x128xi32, #tpu.memory_space<vmem>>) target_semaphore(%run_scoped3A : memref<!tpu.dma_semaphore, #tpu.memory_space<semaphore_mem>>)
      %dma_wait3A = arith.constant 0 : i32
      %dma_wait3A_56 = arith.constant 0 : i32
      %dma_wait3A_57 = tpu.memref_slice %arg3[%arg1, %dma_wait3A, %dma_wait3A_56] : memref<16x79x128xi32, #tpu.memory_space<hbm>> -> memref<1x79x128xi32, #tpu.memory_space<hbm>>
      %dma_wait3A_58 = tpu.memref_squeeze %dma_wait3A_57 : memref<1x79x128xi32, #tpu.memory_space<hbm>> -> memref<79x128xi32, #tpu.memory_space<hbm>>
      %dma_wait3A_59 = arith.constant 0 : i32
      %dma_wait3A_60 = arith.constant 0 : i32
      %dma_wait3A_61 = tpu.memref_slice %arg3[%arg1, %dma_wait3A_59, %dma_wait3A_60] : memref<16x79x128xi32, #tpu.memory_space<hbm>> -> memref<1x79x128xi32, #tpu.memory_space<hbm>>
      %dma_wait3A_62 = tpu.memref_squeeze %dma_wait3A_61 : memref<1x79x128xi32, #tpu.memory_space<hbm>> -> memref<79x128xi32, #tpu.memory_space<hbm>>
      tpu.wait_dma2 semaphore(%run_scoped3A : memref<!tpu.dma_semaphore, #tpu.memory_space<semaphore_mem>>) src(%dma_wait3A_62 : memref<79x128xi32, #tpu.memory_space<hbm>>) dst(%arg6 : memref<79x128xi32, #tpu.memory_space<vmem>>)
      tpu.yield
    }) : () -> ()
    %scan3A = arith.constant 0 : i32
    %scan3A_0 = arith.constant 0 : i32
    %scan3A_1 = arith.constant 8 : i32
    %scan3A_2 = arith.addi %scan3A_0, %scan3A_1 : i32
    %scan3A_3 = arith.constant 1 : i32
    scf.for %scan3A_49 = %scan3A_0 to %scan3A_2 step %scan3A_3  : i32 {
      %broadcast_in_dim3A = arith.constant 1.000000e+00 : f32
      %broadcast_in_dim3A_50 = vector.broadcast %broadcast_in_dim3A : f32 to vector<16xf32>
      %mul3A_51 = arith.constant 16 : i32
      %mul3A_52 = arith.muli %scan3A_49, %mul3A_51 : i32
      %swap3A = arith.index_cast %mul3A_52 : i32 to index
      %swap3A_53 = tpu.vector_load %arg7[%swap3A] {strides = array<i32>} : memref<128xf32, #tpu.memory_space<vmem>>, vector<16xf32>,
      %swap3A_54 = vector.shape_cast %swap3A_53 : vector<16xf32> to vector<16xf32>
      %swap3A_55 = vector.shape_cast %broadcast_in_dim3A_50 : vector<16xf32> to vector<16xf32>
      tpu.vector_store %arg7[%swap3A], %swap3A_55 {strides = array<i32>} : memref<128xf32, #tpu.memory_space<vmem>>, vector<16xf32>,
    }
    %scan3A_4 = arith.constant 8 : i32
    %scan3A_5 = arith.constant 0 : i32
    %scan3A_6 = arith.constant 0 : i32
    %scan3A_7 = arith.constant 40 : i32
    %scan3A_8 = arith.addi %scan3A_6, %scan3A_7 : i32
    %scan3A_9 = arith.constant 1 : i32
    scf.for %scan3A_49 = %scan3A_6 to %scan3A_8 step %scan3A_9  : i32 {
      %broadcast_in_dim3A = arith.constant 0.000000e+00 : f32
      %broadcast_in_dim3A_50 = vector.broadcast %broadcast_in_dim3A : f32 to vector<16xf32>
      %mul3A_51 = arith.constant 16 : i32
      %mul3A_52 = arith.muli %scan3A_49, %mul3A_51 : i32
      %swap3A = arith.index_cast %mul3A_52 : i32 to index
      %swap3A_53 = tpu.vector_load %arg9[%swap3A] {strides = array<i32>} : memref<640xf32, #tpu.memory_space<vmem>>, vector<16xf32>,
      %swap3A_54 = vector.shape_cast %swap3A_53 : vector<16xf32> to vector<16xf32>
      %swap3A_55 = vector.shape_cast %broadcast_in_dim3A_50 : vector<16xf32> to vector<16xf32>
      tpu.vector_store %arg9[%swap3A], %swap3A_55 {strides = array<i32>} : memref<640xf32, #tpu.memory_space<vmem>>, vector<16xf32>,
    }
    %scan3A_10 = arith.constant 40 : i32
    %mul3A = arith.constant 640 : i32
    %mul3A_11 = arith.muli %arg1, %mul3A : i32
    "tpu.region"() ({
      %run_scoped3A = tpu.sem_alloc : memref<!tpu.dma_semaphore, #tpu.memory_space<semaphore_mem>>
      %dma_start3A = tpu.memref_slice %arg14[%mul3A_11] : memref<10240xf32, #tpu.memory_space<vmem_shared>> -> memref<640xf32, #tpu.memory_space<vmem_shared>>
      %dma_start3A_49 = tpu.memref_slice %arg14[%mul3A_11] : memref<10240xf32, #tpu.memory_space<vmem_shared>> -> memref<640xf32, #tpu.memory_space<vmem_shared>>
      tpu.enqueue_dma source(%arg9 : memref<640xf32, #tpu.memory_space<vmem>>) target(%dma_start3A_49 : memref<640xf32, #tpu.memory_space<vmem_shared>>) target_semaphore(%run_scoped3A : memref<!tpu.dma_semaphore, #tpu.memory_space<semaphore_mem>>)
      %dma_wait3A = tpu.memref_slice %arg14[%mul3A_11] : memref<10240xf32, #tpu.memory_space<vmem_shared>> -> memref<640xf32, #tpu.memory_space<vmem_shared>>
      %dma_wait3A_50 = tpu.memref_slice %arg14[%mul3A_11] : memref<10240xf32, #tpu.memory_space<vmem_shared>> -> memref<640xf32, #tpu.memory_space<vmem_shared>>
      tpu.wait_dma2 semaphore(%run_scoped3A : memref<!tpu.dma_semaphore, #tpu.memory_space<semaphore_mem>>) src(%arg9 : memref<640xf32, #tpu.memory_space<vmem>>) dst(%dma_wait3A_50 : memref<640xf32, #tpu.memory_space<vmem_shared>>)
      tpu.yield
    }) : () -> ()
    "tpu.region"() ({
      %run_scoped3A = tpu.sem_alloc : memref<!tpu.dma_semaphore, #tpu.memory_space<semaphore_mem>>
      %dma_start3A = tpu.memref_slice %arg15[%mul3A_11] : memref<10240xf32, #tpu.memory_space<vmem_shared>> -> memref<640xf32, #tpu.memory_space<vmem_shared>>
      %dma_start3A_49 = tpu.memref_slice %arg15[%mul3A_11] : memref<10240xf32, #tpu.memory_space<vmem_shared>> -> memref<640xf32, #tpu.memory_space<vmem_shared>>
      tpu.enqueue_dma source(%arg9 : memref<640xf32, #tpu.memory_space<vmem>>) target(%dma_start3A_49 : memref<640xf32, #tpu.memory_space<vmem_shared>>) target_semaphore(%run_scoped3A : memref<!tpu.dma_semaphore, #tpu.memory_space<semaphore_mem>>)
      %dma_wait3A = tpu.memref_slice %arg15[%mul3A_11] : memref<10240xf32, #tpu.memory_space<vmem_shared>> -> memref<640xf32, #tpu.memory_space<vmem_shared>>
      %dma_wait3A_50 = tpu.memref_slice %arg15[%mul3A_11] : memref<10240xf32, #tpu.memory_space<vmem_shared>> -> memref<640xf32, #tpu.memory_space<vmem_shared>>
      tpu.wait_dma2 semaphore(%run_scoped3A : memref<!tpu.dma_semaphore, #tpu.memory_space<semaphore_mem>>) src(%arg9 : memref<640xf32, #tpu.memory_space<vmem>>) dst(%dma_wait3A_50 : memref<640xf32, #tpu.memory_space<vmem_shared>>)
      tpu.yield
    }) : () -> ()
    "tpu.region"() ({
      %run_scoped3A = tpu.sem_alloc : memref<!tpu.dma_semaphore, #tpu.memory_space<semaphore_mem>>
      %dma_start3A = tpu.memref_slice %arg16[%mul3A_11] : memref<10240xf32, #tpu.memory_space<vmem_shared>> -> memref<640xf32, #tpu.memory_space<vmem_shared>>
      %dma_start3A_49 = tpu.memref_slice %arg16[%mul3A_11] : memref<10240xf32, #tpu.memory_space<vmem_shared>> -> memref<640xf32, #tpu.memory_space<vmem_shared>>
      tpu.enqueue_dma source(%arg9 : memref<640xf32, #tpu.memory_space<vmem>>) target(%dma_start3A_49 : memref<640xf32, #tpu.memory_space<vmem_shared>>) target_semaphore(%run_scoped3A : memref<!tpu.dma_semaphore, #tpu.memory_space<semaphore_mem>>)
      %dma_wait3A = tpu.memref_slice %arg16[%mul3A_11] : memref<10240xf32, #tpu.memory_space<vmem_shared>> -> memref<640xf32, #tpu.memory_space<vmem_shared>>
      %dma_wait3A_50 = tpu.memref_slice %arg16[%mul3A_11] : memref<10240xf32, #tpu.memory_space<vmem_shared>> -> memref<640xf32, #tpu.memory_space<vmem_shared>>
      tpu.wait_dma2 semaphore(%run_scoped3A : memref<!tpu.dma_semaphore, #tpu.memory_space<semaphore_mem>>) src(%arg9 : memref<640xf32, #tpu.memory_space<vmem>>) dst(%dma_wait3A_50 : memref<640xf32, #tpu.memory_space<vmem_shared>>)
      tpu.yield
    }) : () -> ()
    %barrier3A = arith.constant 0 : index
    tpu.barrier barrier_id(%barrier3A)
    %scan3A_12 = arith.constant 0 : i32
    %scan3A_13 = arith.constant 0 : i32
    %scan3A_14 = arith.constant 79 : i32
    %scan3A_15 = arith.addi %scan3A_13, %scan3A_14 : i32
    %scan3A_16 = arith.constant 1 : i32
    scf.for %scan3A_49 = %scan3A_13 to %scan3A_15 step %scan3A_16  : i32 {
      "tpu.region"() ({
        %run_scoped3A = tpu.sem_alloc : memref<!tpu.dma_semaphore, #tpu.memory_space<semaphore_mem>>
        %dma_start3A = arith.constant 0 : i32
        %dma_start3A_50 = tpu.memref_slice %arg5[%scan3A_49, %dma_start3A] : memref<79x128xi32, #tpu.memory_space<vmem>> -> memref<1x128xi32, #tpu.memory_space<vmem>>
        %dma_start3A_51 = tpu.memref_squeeze %dma_start3A_50 : memref<1x128xi32, #tpu.memory_space<vmem>> -> memref<128xi32, #tpu.memory_space<vmem>>
        %dma_start3A_52 = arith.constant 0 : i32
        %dma_start3A_53 = tpu.memref_slice %arg14[%dma_start3A_52] : memref<10240xf32, #tpu.memory_space<vmem_shared>> -> memref<10240xf32, #tpu.memory_space<vmem_shared>>
        tpu.enqueue_indirect_dma source(%arg7 : memref<128xf32, #tpu.memory_space<vmem>>) target(%dma_start3A_53 : memref<10240xf32, #tpu.memory_space<vmem_shared>>) offsets(%dma_start3A_51 : memref<128xi32, #tpu.memory_space<vmem>>) semaphore(%run_scoped3A : memref<!tpu.dma_semaphore, #tpu.memory_space<semaphore_mem>>) {add = true}
        %dma_wait3A = arith.constant 0 : i32
        %dma_wait3A_54 = tpu.memref_slice %arg5[%scan3A_49, %dma_wait3A] : memref<79x128xi32, #tpu.memory_space<vmem>> -> memref<1x128xi32, #tpu.memory_space<vmem>>
        %dma_wait3A_55 = tpu.memref_squeeze %dma_wait3A_54 : memref<1x128xi32, #tpu.memory_space<vmem>> -> memref<128xi32, #tpu.memory_space<vmem>>
        %dma_wait3A_56 = arith.constant 0 : i32
        %dma_wait3A_57 = tpu.memref_slice %arg14[%dma_wait3A_56] : memref<10240xf32, #tpu.memory_space<vmem_shared>> -> memref<10240xf32, #tpu.memory_space<vmem_shared>>
        tpu.wait_indirect_dma semaphore(%run_scoped3A : memref<!tpu.dma_semaphore, #tpu.memory_space<semaphore_mem>>) src(%arg7 : memref<128xf32, #tpu.memory_space<vmem>>) dst(%dma_wait3A_57 : memref<10240xf32, #tpu.memory_space<vmem_shared>>)
        tpu.yield
      }) : () -> ()
      "tpu.region"() ({
        %run_scoped3A = tpu.sem_alloc : memref<!tpu.dma_semaphore, #tpu.memory_space<semaphore_mem>>
        %dma_start3A = arith.constant 0 : i32
        %dma_start3A_50 = tpu.memref_slice %arg6[%scan3A_49, %dma_start3A] : memref<79x128xi32, #tpu.memory_space<vmem>> -> memref<1x128xi32, #tpu.memory_space<vmem>>
        %dma_start3A_51 = tpu.memref_squeeze %dma_start3A_50 : memref<1x128xi32, #tpu.memory_space<vmem>> -> memref<128xi32, #tpu.memory_space<vmem>>
        %dma_start3A_52 = arith.constant 0 : i32
        %dma_start3A_53 = tpu.memref_slice %arg15[%dma_start3A_52] : memref<10240xf32, #tpu.memory_space<vmem_shared>> -> memref<10240xf32, #tpu.memory_space<vmem_shared>>
        tpu.enqueue_indirect_dma source(%arg7 : memref<128xf32, #tpu.memory_space<vmem>>) target(%dma_start3A_53 : memref<10240xf32, #tpu.memory_space<vmem_shared>>) offsets(%dma_start3A_51 : memref<128xi32, #tpu.memory_space<vmem>>) semaphore(%run_scoped3A : memref<!tpu.dma_semaphore, #tpu.memory_space<semaphore_mem>>) {add = true}
        %dma_wait3A = arith.constant 0 : i32
        %dma_wait3A_54 = tpu.memref_slice %arg6[%scan3A_49, %dma_wait3A] : memref<79x128xi32, #tpu.memory_space<vmem>> -> memref<1x128xi32, #tpu.memory_space<vmem>>
        %dma_wait3A_55 = tpu.memref_squeeze %dma_wait3A_54 : memref<1x128xi32, #tpu.memory_space<vmem>> -> memref<128xi32, #tpu.memory_space<vmem>>
        %dma_wait3A_56 = arith.constant 0 : i32
        %dma_wait3A_57 = tpu.memref_slice %arg15[%dma_wait3A_56] : memref<10240xf32, #tpu.memory_space<vmem_shared>> -> memref<10240xf32, #tpu.memory_space<vmem_shared>>
        tpu.wait_indirect_dma semaphore(%run_scoped3A : memref<!tpu.dma_semaphore, #tpu.memory_space<semaphore_mem>>) src(%arg7 : memref<128xf32, #tpu.memory_space<vmem>>) dst(%dma_wait3A_57 : memref<10240xf32, #tpu.memory_space<vmem_shared>>)
        tpu.yield
      }) : () -> ()
    }
    %scan3A_17 = arith.constant 79 : i32
    %barrier3A_18 = arith.constant 0 : index
    tpu.barrier barrier_id(%barrier3A_18)
    "tpu.region"() ({
      %run_scoped3A = tpu.sem_alloc : memref<!tpu.dma_semaphore, #tpu.memory_space<semaphore_mem>>
      %dma_start3A = tpu.memref_slice %arg14[%mul3A_11] : memref<10240xf32, #tpu.memory_space<vmem_shared>> -> memref<640xf32, #tpu.memory_space<vmem_shared>>
      %dma_start3A_49 = tpu.memref_slice %arg14[%mul3A_11] : memref<10240xf32, #tpu.memory_space<vmem_shared>> -> memref<640xf32, #tpu.memory_space<vmem_shared>>
      tpu.enqueue_dma source(%dma_start3A_49 : memref<640xf32, #tpu.memory_space<vmem_shared>>) target(%arg9 : memref<640xf32, #tpu.memory_space<vmem>>) target_semaphore(%run_scoped3A : memref<!tpu.dma_semaphore, #tpu.memory_space<semaphore_mem>>)
      %dma_wait3A = tpu.memref_slice %arg14[%mul3A_11] : memref<10240xf32, #tpu.memory_space<vmem_shared>> -> memref<640xf32, #tpu.memory_space<vmem_shared>>
      %dma_wait3A_50 = tpu.memref_slice %arg14[%mul3A_11] : memref<10240xf32, #tpu.memory_space<vmem_shared>> -> memref<640xf32, #tpu.memory_space<vmem_shared>>
      tpu.wait_dma2 semaphore(%run_scoped3A : memref<!tpu.dma_semaphore, #tpu.memory_space<semaphore_mem>>) src(%dma_wait3A_50 : memref<640xf32, #tpu.memory_space<vmem_shared>>) dst(%arg9 : memref<640xf32, #tpu.memory_space<vmem>>)
      tpu.yield
    }) : () -> ()
    %scan3A_19 = arith.constant 0 : i32
    %scan3A_20 = arith.constant 0 : i32
    %scan3A_21 = arith.constant 40 : i32
    %scan3A_22 = arith.addi %scan3A_20, %scan3A_21 : i32
    %scan3A_23 = arith.constant 1 : i32
    scf.for %scan3A_49 = %scan3A_20 to %scan3A_22 step %scan3A_23  : i32 {
      %mul3A_50 = arith.constant 16 : i32
      %mul3A_51 = arith.muli %scan3A_49, %mul3A_50 : i32
      %get3A = arith.index_cast %mul3A_51 : i32 to index
      %get3A_52 = tpu.vector_load %arg9[%get3A] {strides = array<i32>} : memref<640xf32, #tpu.memory_space<vmem>>, vector<16xf32>,
      %get3A_53 = vector.shape_cast %get3A_52 : vector<16xf32> to vector<16xf32>
      %max3A = arith.constant 1.000000e+00 : f32
      %max3A_54 = vector.broadcast %max3A : f32 to vector<16xf32>
      %max3A_55 = arith.maximumf %get3A_53, %max3A_54 : vector<16xf32>
      %div3A = arith.divf %max3A_55, %max3A_55 : vector<16xf32>
      %add3A_56 = arith.addf %max3A_55, %div3A : vector<16xf32>
      %mul3A_57 = arith.constant 5.000000e-01 : f32
      %mul3A_58 = vector.broadcast %mul3A_57 : f32 to vector<16xf32>
      %mul3A_59 = arith.mulf %mul3A_58, %add3A_56 : vector<16xf32>
      %div3A_60 = arith.divf %max3A_55, %mul3A_59 : vector<16xf32>
      %add3A_61 = arith.addf %mul3A_59, %div3A_60 : vector<16xf32>
      %mul3A_62 = arith.constant 5.000000e-01 : f32
      %mul3A_63 = vector.broadcast %mul3A_62 : f32 to vector<16xf32>
      %mul3A_64 = arith.mulf %mul3A_63, %add3A_61 : vector<16xf32>
      %div3A_65 = arith.divf %max3A_55, %mul3A_64 : vector<16xf32>
      %add3A_66 = arith.addf %mul3A_64, %div3A_65 : vector<16xf32>
      %mul3A_67 = arith.constant 5.000000e-01 : f32
      %mul3A_68 = vector.broadcast %mul3A_67 : f32 to vector<16xf32>
      %mul3A_69 = arith.mulf %mul3A_68, %add3A_66 : vector<16xf32>
      %div3A_70 = arith.divf %max3A_55, %mul3A_69 : vector<16xf32>
      %add3A_71 = arith.addf %mul3A_69, %div3A_70 : vector<16xf32>
      %mul3A_72 = arith.constant 5.000000e-01 : f32
      %mul3A_73 = vector.broadcast %mul3A_72 : f32 to vector<16xf32>
      %mul3A_74 = arith.mulf %mul3A_73, %add3A_71 : vector<16xf32>
      %div3A_75 = arith.divf %max3A_55, %mul3A_74 : vector<16xf32>
      %add3A_76 = arith.addf %mul3A_74, %div3A_75 : vector<16xf32>
      %mul3A_77 = arith.constant 5.000000e-01 : f32
      %mul3A_78 = vector.broadcast %mul3A_77 : f32 to vector<16xf32>
      %mul3A_79 = arith.mulf %mul3A_78, %add3A_76 : vector<16xf32>
      %div3A_80 = arith.divf %max3A_55, %mul3A_79 : vector<16xf32>
      %add3A_81 = arith.addf %mul3A_79, %div3A_80 : vector<16xf32>
      %mul3A_82 = arith.constant 5.000000e-01 : f32
      %mul3A_83 = vector.broadcast %mul3A_82 : f32 to vector<16xf32>
      %mul3A_84 = arith.mulf %mul3A_83, %add3A_81 : vector<16xf32>
      %div3A_85 = arith.divf %max3A_55, %mul3A_84 : vector<16xf32>
      %add3A_86 = arith.addf %mul3A_84, %div3A_85 : vector<16xf32>
      %mul3A_87 = arith.constant 5.000000e-01 : f32
      %mul3A_88 = vector.broadcast %mul3A_87 : f32 to vector<16xf32>
      %mul3A_89 = arith.mulf %mul3A_88, %add3A_86 : vector<16xf32>
      %div3A_90 = arith.divf %max3A_55, %mul3A_89 : vector<16xf32>
      %add3A_91 = arith.addf %mul3A_89, %div3A_90 : vector<16xf32>
      %mul3A_92 = arith.constant 5.000000e-01 : f32
      %mul3A_93 = vector.broadcast %mul3A_92 : f32 to vector<16xf32>
      %mul3A_94 = arith.mulf %mul3A_93, %add3A_91 : vector<16xf32>
      %div3A_95 = arith.divf %max3A_55, %mul3A_94 : vector<16xf32>
      %add3A_96 = arith.addf %mul3A_94, %div3A_95 : vector<16xf32>
      %mul3A_97 = arith.constant 5.000000e-01 : f32
      %mul3A_98 = vector.broadcast %mul3A_97 : f32 to vector<16xf32>
      %mul3A_99 = arith.mulf %mul3A_98, %add3A_96 : vector<16xf32>
      %div3A_100 = arith.divf %max3A_55, %mul3A_99 : vector<16xf32>
      %add3A_101 = arith.addf %mul3A_99, %div3A_100 : vector<16xf32>
      %mul3A_102 = arith.constant 5.000000e-01 : f32
      %mul3A_103 = vector.broadcast %mul3A_102 : f32 to vector<16xf32>
      %mul3A_104 = arith.mulf %mul3A_103, %add3A_101 : vector<16xf32>
      %div3A_105 = arith.divf %max3A_55, %mul3A_104 : vector<16xf32>
      %add3A_106 = arith.addf %mul3A_104, %div3A_105 : vector<16xf32>
      %mul3A_107 = arith.constant 5.000000e-01 : f32
      %mul3A_108 = vector.broadcast %mul3A_107 : f32 to vector<16xf32>
      %mul3A_109 = arith.mulf %mul3A_108, %add3A_106 : vector<16xf32>
      %div3A_110 = arith.divf %max3A_55, %mul3A_109 : vector<16xf32>
      %add3A_111 = arith.addf %mul3A_109, %div3A_110 : vector<16xf32>
      %mul3A_112 = arith.constant 5.000000e-01 : f32
      %mul3A_113 = vector.broadcast %mul3A_112 : f32 to vector<16xf32>
      %mul3A_114 = arith.mulf %mul3A_113, %add3A_111 : vector<16xf32>
      %div3A_115 = arith.divf %max3A_55, %mul3A_114 : vector<16xf32>
      %add3A_116 = arith.addf %mul3A_114, %div3A_115 : vector<16xf32>
      %mul3A_117 = arith.constant 5.000000e-01 : f32
      %mul3A_118 = vector.broadcast %mul3A_117 : f32 to vector<16xf32>
      %mul3A_119 = arith.mulf %mul3A_118, %add3A_116 : vector<16xf32>
      %div3A_120 = arith.divf %max3A_55, %mul3A_119 : vector<16xf32>
      %add3A_121 = arith.addf %mul3A_119, %div3A_120 : vector<16xf32>
      %mul3A_122 = arith.constant 5.000000e-01 : f32
      %mul3A_123 = vector.broadcast %mul3A_122 : f32 to vector<16xf32>
      %mul3A_124 = arith.mulf %mul3A_123, %add3A_121 : vector<16xf32>
      %div3A_125 = arith.constant 1.000000e+00 : f32
      %div3A_126 = vector.broadcast %div3A_125 : f32 to vector<16xf32>
      %div3A_127 = arith.divf %div3A_126, %mul3A_124 : vector<16xf32>
      %mul3A_128 = arith.constant 16 : i32
      %mul3A_129 = arith.muli %scan3A_49, %mul3A_128 : i32
      %swap3A = arith.index_cast %mul3A_129 : i32 to index
      %swap3A_130 = tpu.vector_load %arg10[%swap3A] {strides = array<i32>} : memref<640xf32, #tpu.memory_space<vmem>>, vector<16xf32>,
      %swap3A_131 = vector.shape_cast %swap3A_130 : vector<16xf32> to vector<16xf32>
      %swap3A_132 = vector.shape_cast %div3A_127 : vector<16xf32> to vector<16xf32>
      tpu.vector_store %arg10[%swap3A], %swap3A_132 {strides = array<i32>} : memref<640xf32, #tpu.memory_space<vmem>>, vector<16xf32>,
    }
    %scan3A_24 = arith.constant 40 : i32
    "tpu.region"() ({
      %run_scoped3A = tpu.sem_alloc : memref<!tpu.dma_semaphore, #tpu.memory_space<semaphore_mem>>
      %dma_start3A = tpu.memref_slice %arg14[%mul3A_11] : memref<10240xf32, #tpu.memory_space<vmem_shared>> -> memref<640xf32, #tpu.memory_space<vmem_shared>>
      %dma_start3A_49 = tpu.memref_slice %arg14[%mul3A_11] : memref<10240xf32, #tpu.memory_space<vmem_shared>> -> memref<640xf32, #tpu.memory_space<vmem_shared>>
      tpu.enqueue_dma source(%arg10 : memref<640xf32, #tpu.memory_space<vmem>>) target(%dma_start3A_49 : memref<640xf32, #tpu.memory_space<vmem_shared>>) target_semaphore(%run_scoped3A : memref<!tpu.dma_semaphore, #tpu.memory_space<semaphore_mem>>)
      %dma_wait3A = tpu.memref_slice %arg14[%mul3A_11] : memref<10240xf32, #tpu.memory_space<vmem_shared>> -> memref<640xf32, #tpu.memory_space<vmem_shared>>
      %dma_wait3A_50 = tpu.memref_slice %arg14[%mul3A_11] : memref<10240xf32, #tpu.memory_space<vmem_shared>> -> memref<640xf32, #tpu.memory_space<vmem_shared>>
      tpu.wait_dma2 semaphore(%run_scoped3A : memref<!tpu.dma_semaphore, #tpu.memory_space<semaphore_mem>>) src(%arg10 : memref<640xf32, #tpu.memory_space<vmem>>) dst(%dma_wait3A_50 : memref<640xf32, #tpu.memory_space<vmem_shared>>)
      tpu.yield
    }) : () -> ()
    "tpu.region"() ({
      %run_scoped3A = tpu.sem_alloc : memref<!tpu.dma_semaphore, #tpu.memory_space<semaphore_mem>>
      %dma_start3A = tpu.memref_slice %arg15[%mul3A_11] : memref<10240xf32, #tpu.memory_space<vmem_shared>> -> memref<640xf32, #tpu.memory_space<vmem_shared>>
      %dma_start3A_49 = tpu.memref_slice %arg15[%mul3A_11] : memref<10240xf32, #tpu.memory_space<vmem_shared>> -> memref<640xf32, #tpu.memory_space<vmem_shared>>
      tpu.enqueue_dma source(%dma_start3A_49 : memref<640xf32, #tpu.memory_space<vmem_shared>>) target(%arg9 : memref<640xf32, #tpu.memory_space<vmem>>) target_semaphore(%run_scoped3A : memref<!tpu.dma_semaphore, #tpu.memory_space<semaphore_mem>>)
      %dma_wait3A = tpu.memref_slice %arg15[%mul3A_11] : memref<10240xf32, #tpu.memory_space<vmem_shared>> -> memref<640xf32, #tpu.memory_space<vmem_shared>>
      %dma_wait3A_50 = tpu.memref_slice %arg15[%mul3A_11] : memref<10240xf32, #tpu.memory_space<vmem_shared>> -> memref<640xf32, #tpu.memory_space<vmem_shared>>
      tpu.wait_dma2 semaphore(%run_scoped3A : memref<!tpu.dma_semaphore, #tpu.memory_space<semaphore_mem>>) src(%dma_wait3A_50 : memref<640xf32, #tpu.memory_space<vmem_shared>>) dst(%arg9 : memref<640xf32, #tpu.memory_space<vmem>>)
      tpu.yield
    }) : () -> ()
    %scan3A_25 = arith.constant 0 : i32
    %scan3A_26 = arith.constant 0 : i32
    %scan3A_27 = arith.constant 40 : i32
    %scan3A_28 = arith.addi %scan3A_26, %scan3A_27 : i32
    %scan3A_29 = arith.constant 1 : i32
    scf.for %scan3A_49 = %scan3A_26 to %scan3A_28 step %scan3A_29  : i32 {
      %mul3A_50 = arith.constant 16 : i32
      %mul3A_51 = arith.muli %scan3A_49, %mul3A_50 : i32
      %get3A = arith.index_cast %mul3A_51 : i32 to index
      %get3A_52 = tpu.vector_load %arg9[%get3A] {strides = array<i32>} : memref<640xf32, #tpu.memory_space<vmem>>, vector<16xf32>,
      %get3A_53 = vector.shape_cast %get3A_52 : vector<16xf32> to vector<16xf32>
      %max3A = arith.constant 1.000000e+00 : f32
      %max3A_54 = vector.broadcast %max3A : f32 to vector<16xf32>
      %max3A_55 = arith.maximumf %get3A_53, %max3A_54 : vector<16xf32>
      %div3A = arith.divf %max3A_55, %max3A_55 : vector<16xf32>
      %add3A_56 = arith.addf %max3A_55, %div3A : vector<16xf32>
      %mul3A_57 = arith.constant 5.000000e-01 : f32
      %mul3A_58 = vector.broadcast %mul3A_57 : f32 to vector<16xf32>
      %mul3A_59 = arith.mulf %mul3A_58, %add3A_56 : vector<16xf32>
      %div3A_60 = arith.divf %max3A_55, %mul3A_59 : vector<16xf32>
      %add3A_61 = arith.addf %mul3A_59, %div3A_60 : vector<16xf32>
      %mul3A_62 = arith.constant 5.000000e-01 : f32
      %mul3A_63 = vector.broadcast %mul3A_62 : f32 to vector<16xf32>
      %mul3A_64 = arith.mulf %mul3A_63, %add3A_61 : vector<16xf32>
      %div3A_65 = arith.divf %max3A_55, %mul3A_64 : vector<16xf32>
      %add3A_66 = arith.addf %mul3A_64, %div3A_65 : vector<16xf32>
      %mul3A_67 = arith.constant 5.000000e-01 : f32
      %mul3A_68 = vector.broadcast %mul3A_67 : f32 to vector<16xf32>
      %mul3A_69 = arith.mulf %mul3A_68, %add3A_66 : vector<16xf32>
      %div3A_70 = arith.divf %max3A_55, %mul3A_69 : vector<16xf32>
      %add3A_71 = arith.addf %mul3A_69, %div3A_70 : vector<16xf32>
      %mul3A_72 = arith.constant 5.000000e-01 : f32
      %mul3A_73 = vector.broadcast %mul3A_72 : f32 to vector<16xf32>
      %mul3A_74 = arith.mulf %mul3A_73, %add3A_71 : vector<16xf32>
      %div3A_75 = arith.divf %max3A_55, %mul3A_74 : vector<16xf32>
      %add3A_76 = arith.addf %mul3A_74, %div3A_75 : vector<16xf32>
      %mul3A_77 = arith.constant 5.000000e-01 : f32
      %mul3A_78 = vector.broadcast %mul3A_77 : f32 to vector<16xf32>
      %mul3A_79 = arith.mulf %mul3A_78, %add3A_76 : vector<16xf32>
      %div3A_80 = arith.divf %max3A_55, %mul3A_79 : vector<16xf32>
      %add3A_81 = arith.addf %mul3A_79, %div3A_80 : vector<16xf32>
      %mul3A_82 = arith.constant 5.000000e-01 : f32
      %mul3A_83 = vector.broadcast %mul3A_82 : f32 to vector<16xf32>
      %mul3A_84 = arith.mulf %mul3A_83, %add3A_81 : vector<16xf32>
      %div3A_85 = arith.divf %max3A_55, %mul3A_84 : vector<16xf32>
      %add3A_86 = arith.addf %mul3A_84, %div3A_85 : vector<16xf32>
      %mul3A_87 = arith.constant 5.000000e-01 : f32
      %mul3A_88 = vector.broadcast %mul3A_87 : f32 to vector<16xf32>
      %mul3A_89 = arith.mulf %mul3A_88, %add3A_86 : vector<16xf32>
      %div3A_90 = arith.divf %max3A_55, %mul3A_89 : vector<16xf32>
      %add3A_91 = arith.addf %mul3A_89, %div3A_90 : vector<16xf32>
      %mul3A_92 = arith.constant 5.000000e-01 : f32
      %mul3A_93 = vector.broadcast %mul3A_92 : f32 to vector<16xf32>
      %mul3A_94 = arith.mulf %mul3A_93, %add3A_91 : vector<16xf32>
      %div3A_95 = arith.divf %max3A_55, %mul3A_94 : vector<16xf32>
      %add3A_96 = arith.addf %mul3A_94, %div3A_95 : vector<16xf32>
      %mul3A_97 = arith.constant 5.000000e-01 : f32
      %mul3A_98 = vector.broadcast %mul3A_97 : f32 to vector<16xf32>
      %mul3A_99 = arith.mulf %mul3A_98, %add3A_96 : vector<16xf32>
      %div3A_100 = arith.divf %max3A_55, %mul3A_99 : vector<16xf32>
      %add3A_101 = arith.addf %mul3A_99, %div3A_100 : vector<16xf32>
      %mul3A_102 = arith.constant 5.000000e-01 : f32
      %mul3A_103 = vector.broadcast %mul3A_102 : f32 to vector<16xf32>
      %mul3A_104 = arith.mulf %mul3A_103, %add3A_101 : vector<16xf32>
      %div3A_105 = arith.divf %max3A_55, %mul3A_104 : vector<16xf32>
      %add3A_106 = arith.addf %mul3A_104, %div3A_105 : vector<16xf32>
      %mul3A_107 = arith.constant 5.000000e-01 : f32
      %mul3A_108 = vector.broadcast %mul3A_107 : f32 to vector<16xf32>
      %mul3A_109 = arith.mulf %mul3A_108, %add3A_106 : vector<16xf32>
      %div3A_110 = arith.divf %max3A_55, %mul3A_109 : vector<16xf32>
      %add3A_111 = arith.addf %mul3A_109, %div3A_110 : vector<16xf32>
      %mul3A_112 = arith.constant 5.000000e-01 : f32
      %mul3A_113 = vector.broadcast %mul3A_112 : f32 to vector<16xf32>
      %mul3A_114 = arith.mulf %mul3A_113, %add3A_111 : vector<16xf32>
      %div3A_115 = arith.divf %max3A_55, %mul3A_114 : vector<16xf32>
      %add3A_116 = arith.addf %mul3A_114, %div3A_115 : vector<16xf32>
      %mul3A_117 = arith.constant 5.000000e-01 : f32
      %mul3A_118 = vector.broadcast %mul3A_117 : f32 to vector<16xf32>
      %mul3A_119 = arith.mulf %mul3A_118, %add3A_116 : vector<16xf32>
      %div3A_120 = arith.divf %max3A_55, %mul3A_119 : vector<16xf32>
      %add3A_121 = arith.addf %mul3A_119, %div3A_120 : vector<16xf32>
      %mul3A_122 = arith.constant 5.000000e-01 : f32
      %mul3A_123 = vector.broadcast %mul3A_122 : f32 to vector<16xf32>
      %mul3A_124 = arith.mulf %mul3A_123, %add3A_121 : vector<16xf32>
      %div3A_125 = arith.constant 1.000000e+00 : f32
      %div3A_126 = vector.broadcast %div3A_125 : f32 to vector<16xf32>
      %div3A_127 = arith.divf %div3A_126, %mul3A_124 : vector<16xf32>
      %mul3A_128 = arith.constant 16 : i32
      %mul3A_129 = arith.muli %scan3A_49, %mul3A_128 : i32
      %swap3A = arith.index_cast %mul3A_129 : i32 to index
      %swap3A_130 = tpu.vector_load %arg10[%swap3A] {strides = array<i32>} : memref<640xf32, #tpu.memory_space<vmem>>, vector<16xf32>,
      %swap3A_131 = vector.shape_cast %swap3A_130 : vector<16xf32> to vector<16xf32>
      %swap3A_132 = vector.shape_cast %div3A_127 : vector<16xf32> to vector<16xf32>
      tpu.vector_store %arg10[%swap3A], %swap3A_132 {strides = array<i32>} : memref<640xf32, #tpu.memory_space<vmem>>, vector<16xf32>,
    }
    %scan3A_30 = arith.constant 40 : i32
    "tpu.region"() ({
      %run_scoped3A = tpu.sem_alloc : memref<!tpu.dma_semaphore, #tpu.memory_space<semaphore_mem>>
      %dma_start3A = tpu.memref_slice %arg15[%mul3A_11] : memref<10240xf32, #tpu.memory_space<vmem_shared>> -> memref<640xf32, #tpu.memory_space<vmem_shared>>
      %dma_start3A_49 = tpu.memref_slice %arg15[%mul3A_11] : memref<10240xf32, #tpu.memory_space<vmem_shared>> -> memref<640xf32, #tpu.memory_space<vmem_shared>>
      tpu.enqueue_dma source(%arg10 : memref<640xf32, #tpu.memory_space<vmem>>) target(%dma_start3A_49 : memref<640xf32, #tpu.memory_space<vmem_shared>>) target_semaphore(%run_scoped3A : memref<!tpu.dma_semaphore, #tpu.memory_space<semaphore_mem>>)
      %dma_wait3A = tpu.memref_slice %arg15[%mul3A_11] : memref<10240xf32, #tpu.memory_space<vmem_shared>> -> memref<640xf32, #tpu.memory_space<vmem_shared>>
      %dma_wait3A_50 = tpu.memref_slice %arg15[%mul3A_11] : memref<10240xf32, #tpu.memory_space<vmem_shared>> -> memref<640xf32, #tpu.memory_space<vmem_shared>>
      tpu.wait_dma2 semaphore(%run_scoped3A : memref<!tpu.dma_semaphore, #tpu.memory_space<semaphore_mem>>) src(%arg10 : memref<640xf32, #tpu.memory_space<vmem>>) dst(%dma_wait3A_50 : memref<640xf32, #tpu.memory_space<vmem_shared>>)
      tpu.yield
    }) : () -> ()
    %barrier3A_31 = arith.constant 0 : index
    tpu.barrier barrier_id(%barrier3A_31)
    %scan3A_32 = arith.constant 0 : i32
    %scan3A_33 = arith.constant 0 : i32
    %scan3A_34 = arith.constant 79 : i32
    %scan3A_35 = arith.addi %scan3A_33, %scan3A_34 : i32
    %scan3A_36 = arith.constant 1 : i32
    scf.for %scan3A_49 = %scan3A_33 to %scan3A_35 step %scan3A_36  : i32 {
      "tpu.region"() ({
        %run_scoped3A = tpu.sem_alloc : memref<!tpu.dma_semaphore, #tpu.memory_space<semaphore_mem>>
        %dma_start3A = arith.constant 0 : i32
        %dma_start3A_50 = tpu.memref_slice %arg5[%scan3A_49, %dma_start3A] : memref<79x128xi32, #tpu.memory_space<vmem>> -> memref<1x128xi32, #tpu.memory_space<vmem>>
        %dma_start3A_51 = tpu.memref_squeeze %dma_start3A_50 : memref<1x128xi32, #tpu.memory_space<vmem>> -> memref<128xi32, #tpu.memory_space<vmem>>
        %dma_start3A_52 = arith.constant 0 : i32
        %dma_start3A_53 = tpu.memref_slice %arg14[%dma_start3A_52] : memref<10240xf32, #tpu.memory_space<vmem_shared>> -> memref<10240xf32, #tpu.memory_space<vmem_shared>>
        tpu.enqueue_indirect_dma source(%dma_start3A_53 : memref<10240xf32, #tpu.memory_space<vmem_shared>>) target(%arg8 : memref<128xf32, #tpu.memory_space<vmem>>) offsets(%dma_start3A_51 : memref<128xi32, #tpu.memory_space<vmem>>) semaphore(%run_scoped3A : memref<!tpu.dma_semaphore, #tpu.memory_space<semaphore_mem>>)
        %dma_wait3A = arith.constant 0 : i32
        %dma_wait3A_54 = tpu.memref_slice %arg5[%scan3A_49, %dma_wait3A] : memref<79x128xi32, #tpu.memory_space<vmem>> -> memref<1x128xi32, #tpu.memory_space<vmem>>
        %dma_wait3A_55 = tpu.memref_squeeze %dma_wait3A_54 : memref<1x128xi32, #tpu.memory_space<vmem>> -> memref<128xi32, #tpu.memory_space<vmem>>
        %dma_wait3A_56 = arith.constant 0 : i32
        %dma_wait3A_57 = tpu.memref_slice %arg14[%dma_wait3A_56] : memref<10240xf32, #tpu.memory_space<vmem_shared>> -> memref<10240xf32, #tpu.memory_space<vmem_shared>>
        tpu.wait_indirect_dma semaphore(%run_scoped3A : memref<!tpu.dma_semaphore, #tpu.memory_space<semaphore_mem>>) src(%dma_wait3A_57 : memref<10240xf32, #tpu.memory_space<vmem_shared>>) dst(%arg8 : memref<128xf32, #tpu.memory_space<vmem>>)
        tpu.yield
      }) : () -> ()
      "tpu.region"() ({
        %run_scoped3A = tpu.sem_alloc : memref<!tpu.dma_semaphore, #tpu.memory_space<semaphore_mem>>
        %dma_start3A = arith.constant 0 : i32
        %dma_start3A_50 = tpu.memref_slice %arg6[%scan3A_49, %dma_start3A] : memref<79x128xi32, #tpu.memory_space<vmem>> -> memref<1x128xi32, #tpu.memory_space<vmem>>
        %dma_start3A_51 = tpu.memref_squeeze %dma_start3A_50 : memref<1x128xi32, #tpu.memory_space<vmem>> -> memref<128xi32, #tpu.memory_space<vmem>>
        %dma_start3A_52 = arith.constant 0 : i32
        %dma_start3A_53 = tpu.memref_slice %arg16[%dma_start3A_52] : memref<10240xf32, #tpu.memory_space<vmem_shared>> -> memref<10240xf32, #tpu.memory_space<vmem_shared>>
        tpu.enqueue_indirect_dma source(%arg8 : memref<128xf32, #tpu.memory_space<vmem>>) target(%dma_start3A_53 : memref<10240xf32, #tpu.memory_space<vmem_shared>>) offsets(%dma_start3A_51 : memref<128xi32, #tpu.memory_space<vmem>>) semaphore(%run_scoped3A : memref<!tpu.dma_semaphore, #tpu.memory_space<semaphore_mem>>) {add = true}
        %dma_wait3A = arith.constant 0 : i32
        %dma_wait3A_54 = tpu.memref_slice %arg6[%scan3A_49, %dma_wait3A] : memref<79x128xi32, #tpu.memory_space<vmem>> -> memref<1x128xi32, #tpu.memory_space<vmem>>
        %dma_wait3A_55 = tpu.memref_squeeze %dma_wait3A_54 : memref<1x128xi32, #tpu.memory_space<vmem>> -> memref<128xi32, #tpu.memory_space<vmem>>
        %dma_wait3A_56 = arith.constant 0 : i32
        %dma_wait3A_57 = tpu.memref_slice %arg16[%dma_wait3A_56] : memref<10240xf32, #tpu.memory_space<vmem_shared>> -> memref<10240xf32, #tpu.memory_space<vmem_shared>>
        tpu.wait_indirect_dma semaphore(%run_scoped3A : memref<!tpu.dma_semaphore, #tpu.memory_space<semaphore_mem>>) src(%arg8 : memref<128xf32, #tpu.memory_space<vmem>>) dst(%dma_wait3A_57 : memref<10240xf32, #tpu.memory_space<vmem_shared>>)
        tpu.yield
      }) : () -> ()
    }
    %scan3A_37 = arith.constant 79 : i32
    %barrier3A_38 = arith.constant 0 : index
    tpu.barrier barrier_id(%barrier3A_38)
    %mul3A_39 = arith.constant 5120 : i32
    %mul3A_40 = arith.muli %arg0, %mul3A_39 : i32
    %mul3A_41 = arith.constant 320 : i32
    %mul3A_42 = arith.muli %arg1, %mul3A_41 : i32
    %add3A = arith.addi %mul3A_40, %mul3A_42 : i32
    "tpu.region"() ({
      %run_scoped3A = tpu.sem_alloc : memref<!tpu.dma_semaphore, #tpu.memory_space<semaphore_mem>>
      %dma_start3A = tpu.memref_slice %arg16[%add3A] : memref<10240xf32, #tpu.memory_space<vmem_shared>> -> memref<320xf32, #tpu.memory_space<vmem_shared>>
      %dma_start3A_49 = tpu.memref_slice %arg16[%add3A] : memref<10240xf32, #tpu.memory_space<vmem_shared>> -> memref<320xf32, #tpu.memory_space<vmem_shared>>
      tpu.enqueue_dma source(%dma_start3A_49 : memref<320xf32, #tpu.memory_space<vmem_shared>>) target(%arg11 : memref<320xf32, #tpu.memory_space<vmem>>) target_semaphore(%run_scoped3A : memref<!tpu.dma_semaphore, #tpu.memory_space<semaphore_mem>>)
      %dma_wait3A = tpu.memref_slice %arg16[%add3A] : memref<10240xf32, #tpu.memory_space<vmem_shared>> -> memref<320xf32, #tpu.memory_space<vmem_shared>>
      %dma_wait3A_50 = tpu.memref_slice %arg16[%add3A] : memref<10240xf32, #tpu.memory_space<vmem_shared>> -> memref<320xf32, #tpu.memory_space<vmem_shared>>
      tpu.wait_dma2 semaphore(%run_scoped3A : memref<!tpu.dma_semaphore, #tpu.memory_space<semaphore_mem>>) src(%dma_wait3A_50 : memref<320xf32, #tpu.memory_space<vmem_shared>>) dst(%arg11 : memref<320xf32, #tpu.memory_space<vmem>>)
      tpu.yield
    }) : () -> ()
    "tpu.region"() ({
      %run_scoped3A = tpu.sem_alloc : memref<!tpu.dma_semaphore, #tpu.memory_space<semaphore_mem>>
      %dma_start3A = tpu.memref_slice %arg15[%add3A] : memref<10240xf32, #tpu.memory_space<vmem_shared>> -> memref<320xf32, #tpu.memory_space<vmem_shared>>
      %dma_start3A_49 = tpu.memref_slice %arg15[%add3A] : memref<10240xf32, #tpu.memory_space<vmem_shared>> -> memref<320xf32, #tpu.memory_space<vmem_shared>>
      tpu.enqueue_dma source(%dma_start3A_49 : memref<320xf32, #tpu.memory_space<vmem_shared>>) target(%arg12 : memref<320xf32, #tpu.memory_space<vmem>>) target_semaphore(%run_scoped3A : memref<!tpu.dma_semaphore, #tpu.memory_space<semaphore_mem>>)
      %dma_wait3A = tpu.memref_slice %arg15[%add3A] : memref<10240xf32, #tpu.memory_space<vmem_shared>> -> memref<320xf32, #tpu.memory_space<vmem_shared>>
      %dma_wait3A_50 = tpu.memref_slice %arg15[%add3A] : memref<10240xf32, #tpu.memory_space<vmem_shared>> -> memref<320xf32, #tpu.memory_space<vmem_shared>>
      tpu.wait_dma2 semaphore(%run_scoped3A : memref<!tpu.dma_semaphore, #tpu.memory_space<semaphore_mem>>) src(%dma_wait3A_50 : memref<320xf32, #tpu.memory_space<vmem_shared>>) dst(%arg12 : memref<320xf32, #tpu.memory_space<vmem>>)
      tpu.yield
    }) : () -> ()
    %scan3A_43 = arith.constant 0 : i32
    %scan3A_44 = arith.constant 0 : i32
    %scan3A_45 = arith.constant 20 : i32
    %scan3A_46 = arith.addi %scan3A_44, %scan3A_45 : i32
    %scan3A_47 = arith.constant 1 : i32
    scf.for %scan3A_49 = %scan3A_44 to %scan3A_46 step %scan3A_47  : i32 {
      %mul3A_50 = arith.constant 16 : i32
      %mul3A_51 = arith.muli %scan3A_49, %mul3A_50 : i32
      %get3A = arith.index_cast %mul3A_51 : i32 to index
      %get3A_52 = tpu.vector_load %arg11[%get3A] {strides = array<i32>} : memref<320xf32, #tpu.memory_space<vmem>>, vector<16xf32>,
      %get3A_53 = vector.shape_cast %get3A_52 : vector<16xf32> to vector<16xf32>
      %mul3A_54 = arith.constant 16 : i32
      %mul3A_55 = arith.muli %scan3A_49, %mul3A_54 : i32
      %get3A_56 = arith.index_cast %mul3A_55 : i32 to index
      %get3A_57 = tpu.vector_load %arg12[%get3A_56] {strides = array<i32>} : memref<320xf32, #tpu.memory_space<vmem>>, vector<16xf32>,
      %get3A_58 = vector.shape_cast %get3A_57 : vector<16xf32> to vector<16xf32>
      %mul3A_59 = arith.mulf %get3A_53, %get3A_58 : vector<16xf32>
      %mul3A_60 = arith.constant 16 : i32
      %mul3A_61 = arith.muli %scan3A_49, %mul3A_60 : i32
      %swap3A = arith.index_cast %mul3A_61 : i32 to index
      %swap3A_62 = tpu.vector_load %arg13[%swap3A] {strides = array<i32>} : memref<320xf32, #tpu.memory_space<vmem>>, vector<16xf32>,
      %swap3A_63 = vector.shape_cast %swap3A_62 : vector<16xf32> to vector<16xf32>
      %swap3A_64 = vector.shape_cast %mul3A_59 : vector<16xf32> to vector<16xf32>
      tpu.vector_store %arg13[%swap3A], %swap3A_64 {strides = array<i32>} : memref<320xf32, #tpu.memory_space<vmem>>, vector<16xf32>,
    }
    %scan3A_48 = arith.constant 20 : i32
    "tpu.region"() ({
      %run_scoped3A = tpu.sem_alloc : memref<!tpu.dma_semaphore, #tpu.memory_space<semaphore_mem>>
      %dma_start3A = tpu.memref_slice %arg4[%add3A] : memref<10240xf32, #tpu.memory_space<hbm>> -> memref<320xf32, #tpu.memory_space<hbm>>
      %dma_start3A_49 = tpu.memref_slice %arg4[%add3A] : memref<10240xf32, #tpu.memory_space<hbm>> -> memref<320xf32, #tpu.memory_space<hbm>>
      tpu.enqueue_dma source(%arg13 : memref<320xf32, #tpu.memory_space<vmem>>) target(%dma_start3A_49 : memref<320xf32, #tpu.memory_space<hbm>>) target_semaphore(%run_scoped3A : memref<!tpu.dma_semaphore, #tpu.memory_space<semaphore_mem>>)
      %dma_wait3A = tpu.memref_slice %arg4[%add3A] : memref<10240xf32, #tpu.memory_space<hbm>> -> memref<320xf32, #tpu.memory_space<hbm>>
      %dma_wait3A_50 = tpu.memref_slice %arg4[%add3A] : memref<10240xf32, #tpu.memory_space<hbm>> -> memref<320xf32, #tpu.memory_space<hbm>>
      tpu.wait_dma2 semaphore(%run_scoped3A : memref<!tpu.dma_semaphore, #tpu.memory_space<semaphore_mem>>) src(%arg13 : memref<320xf32, #tpu.memory_space<vmem>>) dst(%dma_wait3A_50 : memref<320xf32, #tpu.memory_space<hbm>>)
      tpu.yield
    }) : () -> ()
    return
  }
}

module attributes {stable_mosaic.version = 14 : i64} {
  func.func @_tc_body(%arg0: i32, %arg1: memref<1000x1xf32, #tpu.memory_space<vmem>>, %arg2: memref<4x256xf32, #tpu.memory_space<vmem>>, %arg3: memref<256x128xf32, #tpu.memory_space<vmem>>, %arg4: memref<128xf32, #tpu.memory_space<vmem>>, %arg5: memref<256x128xf32, #tpu.memory_space<vmem>>, %arg6: memref<128xf32, #tpu.memory_space<vmem>>, %arg7: memref<256x128xf32, #tpu.memory_space<vmem>>, %arg8: memref<128xf32, #tpu.memory_space<vmem>>, %arg9: memref<128x128xf32, #tpu.memory_space<vmem>>, %arg10: memref<128xf32, #tpu.memory_space<vmem>>, %arg11: memref<4x2x1000x128xf32, #tpu.memory_space<vmem>>) attributes {dimension_semantics = [#tpu.dimension_semantics<arbitrary>], iteration_bounds = array<i64: 10>, scalar_prefetch = 0 : i64, scratch_operands = 0 : i64, tpu.core_type = #tpu.core_type<tc>, window_params = [{transform_indices = @transform_0, window_bounds = array<i64: 1000, 1>}, {pipeline_mode = #tpu.pipeline_mode<synchronous>, transform_indices = @transform_1, window_bounds = array<i64: 4, 256>}, {pipeline_mode = #tpu.pipeline_mode<synchronous>, transform_indices = @transform_2, window_bounds = array<i64: 256, 128>}, {pipeline_mode = #tpu.pipeline_mode<synchronous>, transform_indices = @transform_3, window_bounds = array<i64: 128>}, {pipeline_mode = #tpu.pipeline_mode<synchronous>, transform_indices = @transform_4, window_bounds = array<i64: 256, 128>}, {pipeline_mode = #tpu.pipeline_mode<synchronous>, transform_indices = @transform_5, window_bounds = array<i64: 128>}, {pipeline_mode = #tpu.pipeline_mode<synchronous>, transform_indices = @transform_6, window_bounds = array<i64: 256, 128>}, {pipeline_mode = #tpu.pipeline_mode<synchronous>, transform_indices = @transform_7, window_bounds = array<i64: 128>}, {pipeline_mode = #tpu.pipeline_mode<synchronous>, transform_indices = @transform_8, window_bounds = array<i64: 128, 128>}, {pipeline_mode = #tpu.pipeline_mode<synchronous>, transform_indices = @transform_9, window_bounds = array<i64: 128>}, {transform_indices = @transform_10, window_bounds = array<i64: 4, 2, 1000, 128>}]} {
    %get3A = arith.constant 0 : index
    %get3A_0 = arith.constant 0 : index
    %get3A_1 = vector.load %arg2[%get3A, %get3A_0] : memref<4x256xf32, #tpu.memory_space<vmem>>, vector<4x256xf32>
    %get3A_2 = arith.constant 0 : index
    %get3A_3 = vector.load %arg10[%get3A_2] : memref<128xf32, #tpu.memory_space<vmem>>, vector<128xf32>
    %broadcast_in_dim3A = vector.shape_cast %get3A_3 : vector<128xf32> to vector<1x128xf32>
    %get3A_4 = arith.constant 0 : index
    %get3A_5 = arith.constant 0 : index
    %get3A_6 = vector.load %arg3[%get3A_4, %get3A_5] : memref<256x128xf32, #tpu.memory_space<vmem>>, vector<256x128xf32>
    %dot_general3A = arith.constant dense<0.000000e+00> : vector<4x128xf32>
    %dot_general3A_7 = tpu.matmul %get3A_1, %get3A_6, %dot_general3A {dimension_numbers = #tpu.dot_dimension_numbers<[1], [0], [0], [1], [0, 0, 1, 1], [], []>, transpose_lhs_hint = false} : vector<4x256xf32>, vector<256x128xf32>, vector<4x128xf32> -> vector<4x128xf32>
    %get3A_8 = arith.constant 0 : index
    %get3A_9 = vector.load %arg4[%get3A_8] : memref<128xf32, #tpu.memory_space<vmem>>, vector<128xf32>
    %broadcast_in_dim3A_10 = vector.shape_cast %get3A_9 : vector<128xf32> to vector<1x128xf32>
    %add3A = vector.broadcast %broadcast_in_dim3A_10 : vector<1x128xf32> to vector<4x128xf32>
    %add3A_11 = arith.addf %dot_general3A_7, %add3A : vector<4x128xf32>
    %get3A_12 = arith.constant 0 : index
    %get3A_13 = arith.constant 0 : index
    %get3A_14 = vector.load %arg5[%get3A_12, %get3A_13] : memref<256x128xf32, #tpu.memory_space<vmem>>, vector<256x128xf32>
    %dot_general3A_15 = arith.constant dense<0.000000e+00> : vector<4x128xf32>
    %dot_general3A_16 = tpu.matmul %get3A_1, %get3A_14, %dot_general3A_15 {dimension_numbers = #tpu.dot_dimension_numbers<[1], [0], [0], [1], [0, 0, 1, 1], [], []>, transpose_lhs_hint = false} : vector<4x256xf32>, vector<256x128xf32>, vector<4x128xf32> -> vector<4x128xf32>
    %get3A_17 = arith.constant 0 : index
    %get3A_18 = vector.load %arg6[%get3A_17] : memref<128xf32, #tpu.memory_space<vmem>>, vector<128xf32>
    %broadcast_in_dim3A_19 = vector.shape_cast %get3A_18 : vector<128xf32> to vector<1x128xf32>
    %add3A_20 = vector.broadcast %broadcast_in_dim3A_19 : vector<1x128xf32> to vector<4x128xf32>
    %add3A_21 = arith.addf %dot_general3A_16, %add3A_20 : vector<4x128xf32>
    %get3A_22 = arith.constant 0 : index
    %get3A_23 = arith.constant 0 : index
    %get3A_24 = vector.load %arg7[%get3A_22, %get3A_23] : memref<256x128xf32, #tpu.memory_space<vmem>>, vector<256x128xf32>
    %dot_general3A_25 = arith.constant dense<0.000000e+00> : vector<4x128xf32>
    %dot_general3A_26 = tpu.matmul %get3A_1, %get3A_24, %dot_general3A_25 {dimension_numbers = #tpu.dot_dimension_numbers<[1], [0], [0], [1], [0, 0, 1, 1], [], []>, transpose_lhs_hint = false} : vector<4x256xf32>, vector<256x128xf32>, vector<4x128xf32> -> vector<4x128xf32>
    %get3A_27 = arith.constant 0 : index
    %get3A_28 = vector.load %arg8[%get3A_27] : memref<128xf32, #tpu.memory_space<vmem>>, vector<128xf32>
    %broadcast_in_dim3A_29 = vector.shape_cast %get3A_28 : vector<128xf32> to vector<1x128xf32>
    %add3A_30 = vector.broadcast %broadcast_in_dim3A_29 : vector<1x128xf32> to vector<4x128xf32>
    %add3A_31 = arith.addf %dot_general3A_26, %add3A_30 : vector<4x128xf32>
    %add3A_32 = vector.broadcast %broadcast_in_dim3A : vector<1x128xf32> to vector<4x128xf32>
    %add3A_33 = arith.addf %add3A_11, %add3A_32 : vector<4x128xf32>
    %logistic3A = arith.negf %add3A_33 : vector<4x128xf32>
    %logistic3A_34 = math.exp %logistic3A : vector<4x128xf32>
    %logistic3A_35 = arith.constant 1.000000e+00 : f32
    %logistic3A_36 = vector.broadcast %logistic3A_35 : f32 to vector<4x128xf32>
    %logistic3A_37 = arith.addf %logistic3A_36, %logistic3A_34 : vector<4x128xf32>
    %logistic3A_38 = arith.divf %logistic3A_36, %logistic3A_37 : vector<4x128xf32>
    %add3A_39 = vector.broadcast %broadcast_in_dim3A : vector<1x128xf32> to vector<4x128xf32>
    %add3A_40 = arith.addf %add3A_21, %add3A_39 : vector<4x128xf32>
    %logistic3A_41 = arith.negf %add3A_40 : vector<4x128xf32>
    %logistic3A_42 = math.exp %logistic3A_41 : vector<4x128xf32>
    %logistic3A_43 = arith.constant 1.000000e+00 : f32
    %logistic3A_44 = vector.broadcast %logistic3A_43 : f32 to vector<4x128xf32>
    %logistic3A_45 = arith.addf %logistic3A_44, %logistic3A_42 : vector<4x128xf32>
    %logistic3A_46 = arith.divf %logistic3A_44, %logistic3A_45 : vector<4x128xf32>
    %mul3A = vector.broadcast %broadcast_in_dim3A : vector<1x128xf32> to vector<4x128xf32>
    %mul3A_47 = arith.mulf %logistic3A_38, %mul3A : vector<4x128xf32>
    %add3A_48 = arith.addf %add3A_31, %mul3A_47 : vector<4x128xf32>
    %tanh3A = math.tanh %add3A_48 : vector<4x128xf32>
    %mul3A_49 = arith.mulf %logistic3A_46, %tanh3A : vector<4x128xf32>
    %get3A_50 = arith.constant 0 : index
    %get3A_51 = arith.constant 0 : index
    %get3A_52 = vector.load %arg9[%get3A_50, %get3A_51] : memref<128x128xf32, #tpu.memory_space<vmem>>, vector<128x128xf32>
    %dot_general3A_53 = arith.constant dense<0.000000e+00> : vector<4x128xf32>
    %dot_general3A_54 = tpu.matmul %mul3A_49, %get3A_52, %dot_general3A_53 {dimension_numbers = #tpu.dot_dimension_numbers<[1], [0], [0], [1], [0, 0, 1, 1], [], []>, transpose_lhs_hint = false} : vector<4x128xf32>, vector<128x128xf32>, vector<4x128xf32> -> vector<4x128xf32>
    %get3A_55 = arith.constant 0 : index
    %get3A_56 = arith.constant 0 : index
    %get3A_57 = vector.load %arg1[%get3A_55, %get3A_56] : memref<1000x1xf32, #tpu.memory_space<vmem>>, vector<1000x1xf32>
    %slice3A = vector.extract_strided_slice %dot_general3A_54 {offsets = [0, 0], sizes = [1, 128], strides = [1, 1]} : vector<4x128xf32> to vector<1x128xf32>
    %mul3A_58 = vector.broadcast %slice3A : vector<1x128xf32> to vector<1000x128xf32>
    %mul3A_59 = vector.broadcast %get3A_57 : vector<1000x1xf32> to vector<1000x128xf32>
    %mul3A_60 = arith.mulf %mul3A_58, %mul3A_59 : vector<1000x128xf32>
    %add3A_61 = vector.broadcast %broadcast_in_dim3A : vector<1x128xf32> to vector<1000x128xf32>
    %add3A_62 = arith.addf %mul3A_60, %add3A_61 : vector<1000x128xf32>
    %slice3A_63 = vector.extract_strided_slice %add3A_11 {offsets = [0, 0], sizes = [1, 128], strides = [1, 1]} : vector<4x128xf32> to vector<1x128xf32>
    %add3A_64 = vector.broadcast %slice3A_63 : vector<1x128xf32> to vector<1000x128xf32>
    %add3A_65 = arith.addf %add3A_64, %add3A_62 : vector<1000x128xf32>
    %logistic3A_66 = arith.negf %add3A_65 : vector<1000x128xf32>
    %logistic3A_67 = math.exp %logistic3A_66 : vector<1000x128xf32>
    %logistic3A_68 = arith.constant 1.000000e+00 : f32
    %logistic3A_69 = vector.broadcast %logistic3A_68 : f32 to vector<1000x128xf32>
    %logistic3A_70 = arith.addf %logistic3A_69, %logistic3A_67 : vector<1000x128xf32>
    %logistic3A_71 = arith.divf %logistic3A_69, %logistic3A_70 : vector<1000x128xf32>
    %slice3A_72 = vector.extract_strided_slice %add3A_21 {offsets = [0, 0], sizes = [1, 128], strides = [1, 1]} : vector<4x128xf32> to vector<1x128xf32>
    %add3A_73 = vector.broadcast %slice3A_72 : vector<1x128xf32> to vector<1000x128xf32>
    %add3A_74 = arith.addf %add3A_73, %add3A_62 : vector<1000x128xf32>
    %logistic3A_75 = arith.negf %add3A_74 : vector<1000x128xf32>
    %logistic3A_76 = math.exp %logistic3A_75 : vector<1000x128xf32>
    %logistic3A_77 = arith.constant 1.000000e+00 : f32
    %logistic3A_78 = vector.broadcast %logistic3A_77 : f32 to vector<1000x128xf32>
    %logistic3A_79 = arith.addf %logistic3A_78, %logistic3A_76 : vector<1000x128xf32>
    %logistic3A_80 = arith.divf %logistic3A_78, %logistic3A_79 : vector<1000x128xf32>
    %slice3A_81 = vector.extract_strided_slice %add3A_31 {offsets = [0, 0], sizes = [1, 128], strides = [1, 1]} : vector<4x128xf32> to vector<1x128xf32>
    %mul3A_82 = arith.mulf %logistic3A_71, %add3A_62 : vector<1000x128xf32>
    %add3A_83 = vector.broadcast %slice3A_81 : vector<1x128xf32> to vector<1000x128xf32>
    %add3A_84 = arith.addf %add3A_83, %mul3A_82 : vector<1000x128xf32>
    %tanh3A_85 = math.tanh %add3A_84 : vector<1000x128xf32>
    %sub3A = arith.constant 1.000000e+00 : f32
    %sub3A_86 = vector.broadcast %sub3A : f32 to vector<1000x128xf32>
    %sub3A_87 = arith.subf %sub3A_86, %logistic3A_80 : vector<1000x128xf32>
    %slice3A_88 = vector.extract_strided_slice %mul3A_49 {offsets = [0, 0], sizes = [1, 128], strides = [1, 1]} : vector<4x128xf32> to vector<1x128xf32>
    %mul3A_89 = vector.broadcast %slice3A_88 : vector<1x128xf32> to vector<1000x128xf32>
    %mul3A_90 = arith.mulf %sub3A_87, %mul3A_89 : vector<1000x128xf32>
    %mul3A_91 = arith.mulf %logistic3A_80, %tanh3A_85 : vector<1000x128xf32>
    %add3A_92 = arith.addf %mul3A_90, %mul3A_91 : vector<1000x128xf32>
    %slice3A_93 = vector.extract_strided_slice %mul3A_49 {offsets = [0, 0], sizes = [1, 128], strides = [1, 1]} : vector<4x128xf32> to vector<1x128xf32>
    %broadcast_in_dim3A_94 = vector.shape_cast %slice3A_93 : vector<1x128xf32> to vector<1x128xf32>
    %broadcast_in_dim3A_95 = vector.broadcast %broadcast_in_dim3A_94 : vector<1x128xf32> to vector<1000x128xf32>
    %swap3A = arith.constant 0 : index
    %swap3A_96 = arith.constant 0 : index
    %swap3A_97 = arith.constant 0 : index
    %swap3A_98 = arith.constant 0 : index
    %swap3A_99 = vector.load %arg11[%swap3A, %swap3A_96, %swap3A_97, %swap3A_98] : memref<4x2x1000x128xf32, #tpu.memory_space<vmem>>, vector<1x1x1000x128xf32>
    %swap3A_100 = vector.shape_cast %swap3A_99 : vector<1x1x1000x128xf32> to vector<1000x128xf32>
    %swap3A_101 = vector.shape_cast %broadcast_in_dim3A_95 : vector<1000x128xf32> to vector<1x1x1000x128xf32>
    tpu.vector_store %arg11[%swap3A, %swap3A_96, %swap3A_97, %swap3A_98], %swap3A_101 {strides = array<i32>} : memref<4x2x1000x128xf32, #tpu.memory_space<vmem>>, vector<1x1x1000x128xf32>,
    %swap3A_102 = arith.constant 0 : index
    %swap3A_103 = arith.constant 1 : index
    %swap3A_104 = arith.constant 0 : index
    %swap3A_105 = arith.constant 0 : index
    %swap3A_106 = vector.load %arg11[%swap3A_102, %swap3A_103, %swap3A_104, %swap3A_105] : memref<4x2x1000x128xf32, #tpu.memory_space<vmem>>, vector<1x1x1000x128xf32>
    %swap3A_107 = vector.shape_cast %swap3A_106 : vector<1x1x1000x128xf32> to vector<1000x128xf32>
    %swap3A_108 = vector.shape_cast %add3A_92 : vector<1000x128xf32> to vector<1x1x1000x128xf32>
    tpu.vector_store %arg11[%swap3A_102, %swap3A_103, %swap3A_104, %swap3A_105], %swap3A_108 {strides = array<i32>} : memref<4x2x1000x128xf32, #tpu.memory_space<vmem>>, vector<1x1x1000x128xf32>,
    %slice3A_109 = vector.extract_strided_slice %dot_general3A_54 {offsets = [1, 0], sizes = [1, 128], strides = [1, 1]} : vector<4x128xf32> to vector<1x128xf32>
    %mul3A_110 = vector.broadcast %slice3A_109 : vector<1x128xf32> to vector<1000x128xf32>
    %mul3A_111 = vector.broadcast %get3A_57 : vector<1000x1xf32> to vector<1000x128xf32>
    %mul3A_112 = arith.mulf %mul3A_110, %mul3A_111 : vector<1000x128xf32>
    %add3A_113 = vector.broadcast %broadcast_in_dim3A : vector<1x128xf32> to vector<1000x128xf32>
    %add3A_114 = arith.addf %mul3A_112, %add3A_113 : vector<1000x128xf32>
    %slice3A_115 = vector.extract_strided_slice %add3A_11 {offsets = [1, 0], sizes = [1, 128], strides = [1, 1]} : vector<4x128xf32> to vector<1x128xf32>
    %add3A_116 = vector.broadcast %slice3A_115 : vector<1x128xf32> to vector<1000x128xf32>
    %add3A_117 = arith.addf %add3A_116, %add3A_114 : vector<1000x128xf32>
    %logistic3A_118 = arith.negf %add3A_117 : vector<1000x128xf32>
    %logistic3A_119 = math.exp %logistic3A_118 : vector<1000x128xf32>
    %logistic3A_120 = arith.constant 1.000000e+00 : f32
    %logistic3A_121 = vector.broadcast %logistic3A_120 : f32 to vector<1000x128xf32>
    %logistic3A_122 = arith.addf %logistic3A_121, %logistic3A_119 : vector<1000x128xf32>
    %logistic3A_123 = arith.divf %logistic3A_121, %logistic3A_122 : vector<1000x128xf32>
    %slice3A_124 = vector.extract_strided_slice %add3A_21 {offsets = [1, 0], sizes = [1, 128], strides = [1, 1]} : vector<4x128xf32> to vector<1x128xf32>
    %add3A_125 = vector.broadcast %slice3A_124 : vector<1x128xf32> to vector<1000x128xf32>
    %add3A_126 = arith.addf %add3A_125, %add3A_114 : vector<1000x128xf32>
    %logistic3A_127 = arith.negf %add3A_126 : vector<1000x128xf32>
    %logistic3A_128 = math.exp %logistic3A_127 : vector<1000x128xf32>
    %logistic3A_129 = arith.constant 1.000000e+00 : f32
    %logistic3A_130 = vector.broadcast %logistic3A_129 : f32 to vector<1000x128xf32>
    %logistic3A_131 = arith.addf %logistic3A_130, %logistic3A_128 : vector<1000x128xf32>
    %logistic3A_132 = arith.divf %logistic3A_130, %logistic3A_131 : vector<1000x128xf32>
    %slice3A_133 = vector.extract_strided_slice %add3A_31 {offsets = [1, 0], sizes = [1, 128], strides = [1, 1]} : vector<4x128xf32> to vector<1x128xf32>
    %mul3A_134 = arith.mulf %logistic3A_123, %add3A_114 : vector<1000x128xf32>
    %add3A_135 = vector.broadcast %slice3A_133 : vector<1x128xf32> to vector<1000x128xf32>
    %add3A_136 = arith.addf %add3A_135, %mul3A_134 : vector<1000x128xf32>
    %tanh3A_137 = math.tanh %add3A_136 : vector<1000x128xf32>
    %sub3A_138 = arith.constant 1.000000e+00 : f32
    %sub3A_139 = vector.broadcast %sub3A_138 : f32 to vector<1000x128xf32>
    %sub3A_140 = arith.subf %sub3A_139, %logistic3A_132 : vector<1000x128xf32>
    %slice3A_141 = vector.extract_strided_slice %mul3A_49 {offsets = [1, 0], sizes = [1, 128], strides = [1, 1]} : vector<4x128xf32> to vector<1x128xf32>
    %mul3A_142 = vector.broadcast %slice3A_141 : vector<1x128xf32> to vector<1000x128xf32>
    %mul3A_143 = arith.mulf %sub3A_140, %mul3A_142 : vector<1000x128xf32>
    %mul3A_144 = arith.mulf %logistic3A_132, %tanh3A_137 : vector<1000x128xf32>
    %add3A_145 = arith.addf %mul3A_143, %mul3A_144 : vector<1000x128xf32>
    %slice3A_146 = vector.extract_strided_slice %mul3A_49 {offsets = [1, 0], sizes = [1, 128], strides = [1, 1]} : vector<4x128xf32> to vector<1x128xf32>
    %broadcast_in_dim3A_147 = vector.shape_cast %slice3A_146 : vector<1x128xf32> to vector<1x128xf32>
    %broadcast_in_dim3A_148 = vector.broadcast %broadcast_in_dim3A_147 : vector<1x128xf32> to vector<1000x128xf32>
    %swap3A_149 = arith.constant 1 : index
    %swap3A_150 = arith.constant 0 : index
    %swap3A_151 = arith.constant 0 : index
    %swap3A_152 = arith.constant 0 : index
    %swap3A_153 = vector.load %arg11[%swap3A_149, %swap3A_150, %swap3A_151, %swap3A_152] : memref<4x2x1000x128xf32, #tpu.memory_space<vmem>>, vector<1x1x1000x128xf32>
    %swap3A_154 = vector.shape_cast %swap3A_153 : vector<1x1x1000x128xf32> to vector<1000x128xf32>
    %swap3A_155 = vector.shape_cast %broadcast_in_dim3A_148 : vector<1000x128xf32> to vector<1x1x1000x128xf32>
    tpu.vector_store %arg11[%swap3A_149, %swap3A_150, %swap3A_151, %swap3A_152], %swap3A_155 {strides = array<i32>} : memref<4x2x1000x128xf32, #tpu.memory_space<vmem>>, vector<1x1x1000x128xf32>,
    %swap3A_156 = arith.constant 1 : index
    %swap3A_157 = arith.constant 1 : index
    %swap3A_158 = arith.constant 0 : index
    %swap3A_159 = arith.constant 0 : index
    %swap3A_160 = vector.load %arg11[%swap3A_156, %swap3A_157, %swap3A_158, %swap3A_159] : memref<4x2x1000x128xf32, #tpu.memory_space<vmem>>, vector<1x1x1000x128xf32>
    %swap3A_161 = vector.shape_cast %swap3A_160 : vector<1x1x1000x128xf32> to vector<1000x128xf32>
    %swap3A_162 = vector.shape_cast %add3A_145 : vector<1000x128xf32> to vector<1x1x1000x128xf32>
    tpu.vector_store %arg11[%swap3A_156, %swap3A_157, %swap3A_158, %swap3A_159], %swap3A_162 {strides = array<i32>} : memref<4x2x1000x128xf32, #tpu.memory_space<vmem>>, vector<1x1x1000x128xf32>,
    %slice3A_163 = vector.extract_strided_slice %dot_general3A_54 {offsets = [2, 0], sizes = [1, 128], strides = [1, 1]} : vector<4x128xf32> to vector<1x128xf32>
    %mul3A_164 = vector.broadcast %slice3A_163 : vector<1x128xf32> to vector<1000x128xf32>
    %mul3A_165 = vector.broadcast %get3A_57 : vector<1000x1xf32> to vector<1000x128xf32>
    %mul3A_166 = arith.mulf %mul3A_164, %mul3A_165 : vector<1000x128xf32>
    %add3A_167 = vector.broadcast %broadcast_in_dim3A : vector<1x128xf32> to vector<1000x128xf32>
    %add3A_168 = arith.addf %mul3A_166, %add3A_167 : vector<1000x128xf32>
    %slice3A_169 = vector.extract_strided_slice %add3A_11 {offsets = [2, 0], sizes = [1, 128], strides = [1, 1]} : vector<4x128xf32> to vector<1x128xf32>
    %add3A_170 = vector.broadcast %slice3A_169 : vector<1x128xf32> to vector<1000x128xf32>
    %add3A_171 = arith.addf %add3A_170, %add3A_168 : vector<1000x128xf32>
    %logistic3A_172 = arith.negf %add3A_171 : vector<1000x128xf32>
    %logistic3A_173 = math.exp %logistic3A_172 : vector<1000x128xf32>
    %logistic3A_174 = arith.constant 1.000000e+00 : f32
    %logistic3A_175 = vector.broadcast %logistic3A_174 : f32 to vector<1000x128xf32>
    %logistic3A_176 = arith.addf %logistic3A_175, %logistic3A_173 : vector<1000x128xf32>
    %logistic3A_177 = arith.divf %logistic3A_175, %logistic3A_176 : vector<1000x128xf32>
    %slice3A_178 = vector.extract_strided_slice %add3A_21 {offsets = [2, 0], sizes = [1, 128], strides = [1, 1]} : vector<4x128xf32> to vector<1x128xf32>
    %add3A_179 = vector.broadcast %slice3A_178 : vector<1x128xf32> to vector<1000x128xf32>
    %add3A_180 = arith.addf %add3A_179, %add3A_168 : vector<1000x128xf32>
    %logistic3A_181 = arith.negf %add3A_180 : vector<1000x128xf32>
    %logistic3A_182 = math.exp %logistic3A_181 : vector<1000x128xf32>
    %logistic3A_183 = arith.constant 1.000000e+00 : f32
    %logistic3A_184 = vector.broadcast %logistic3A_183 : f32 to vector<1000x128xf32>
    %logistic3A_185 = arith.addf %logistic3A_184, %logistic3A_182 : vector<1000x128xf32>
    %logistic3A_186 = arith.divf %logistic3A_184, %logistic3A_185 : vector<1000x128xf32>
    %slice3A_187 = vector.extract_strided_slice %add3A_31 {offsets = [2, 0], sizes = [1, 128], strides = [1, 1]} : vector<4x128xf32> to vector<1x128xf32>
    %mul3A_188 = arith.mulf %logistic3A_177, %add3A_168 : vector<1000x128xf32>
    %add3A_189 = vector.broadcast %slice3A_187 : vector<1x128xf32> to vector<1000x128xf32>
    %add3A_190 = arith.addf %add3A_189, %mul3A_188 : vector<1000x128xf32>
    %tanh3A_191 = math.tanh %add3A_190 : vector<1000x128xf32>
    %sub3A_192 = arith.constant 1.000000e+00 : f32
    %sub3A_193 = vector.broadcast %sub3A_192 : f32 to vector<1000x128xf32>
    %sub3A_194 = arith.subf %sub3A_193, %logistic3A_186 : vector<1000x128xf32>
    %slice3A_195 = vector.extract_strided_slice %mul3A_49 {offsets = [2, 0], sizes = [1, 128], strides = [1, 1]} : vector<4x128xf32> to vector<1x128xf32>
    %mul3A_196 = vector.broadcast %slice3A_195 : vector<1x128xf32> to vector<1000x128xf32>
    %mul3A_197 = arith.mulf %sub3A_194, %mul3A_196 : vector<1000x128xf32>
    %mul3A_198 = arith.mulf %logistic3A_186, %tanh3A_191 : vector<1000x128xf32>
    %add3A_199 = arith.addf %mul3A_197, %mul3A_198 : vector<1000x128xf32>
    %slice3A_200 = vector.extract_strided_slice %mul3A_49 {offsets = [2, 0], sizes = [1, 128], strides = [1, 1]} : vector<4x128xf32> to vector<1x128xf32>
    %broadcast_in_dim3A_201 = vector.shape_cast %slice3A_200 : vector<1x128xf32> to vector<1x128xf32>
    %broadcast_in_dim3A_202 = vector.broadcast %broadcast_in_dim3A_201 : vector<1x128xf32> to vector<1000x128xf32>
    %swap3A_203 = arith.constant 2 : index
    %swap3A_204 = arith.constant 0 : index
    %swap3A_205 = arith.constant 0 : index
    %swap3A_206 = arith.constant 0 : index
    %swap3A_207 = vector.load %arg11[%swap3A_203, %swap3A_204, %swap3A_205, %swap3A_206] : memref<4x2x1000x128xf32, #tpu.memory_space<vmem>>, vector<1x1x1000x128xf32>
    %swap3A_208 = vector.shape_cast %swap3A_207 : vector<1x1x1000x128xf32> to vector<1000x128xf32>
    %swap3A_209 = vector.shape_cast %broadcast_in_dim3A_202 : vector<1000x128xf32> to vector<1x1x1000x128xf32>
    tpu.vector_store %arg11[%swap3A_203, %swap3A_204, %swap3A_205, %swap3A_206], %swap3A_209 {strides = array<i32>} : memref<4x2x1000x128xf32, #tpu.memory_space<vmem>>, vector<1x1x1000x128xf32>,
    %swap3A_210 = arith.constant 2 : index
    %swap3A_211 = arith.constant 1 : index
    %swap3A_212 = arith.constant 0 : index
    %swap3A_213 = arith.constant 0 : index
    %swap3A_214 = vector.load %arg11[%swap3A_210, %swap3A_211, %swap3A_212, %swap3A_213] : memref<4x2x1000x128xf32, #tpu.memory_space<vmem>>, vector<1x1x1000x128xf32>
    %swap3A_215 = vector.shape_cast %swap3A_214 : vector<1x1x1000x128xf32> to vector<1000x128xf32>
    %swap3A_216 = vector.shape_cast %add3A_199 : vector<1000x128xf32> to vector<1x1x1000x128xf32>
    tpu.vector_store %arg11[%swap3A_210, %swap3A_211, %swap3A_212, %swap3A_213], %swap3A_216 {strides = array<i32>} : memref<4x2x1000x128xf32, #tpu.memory_space<vmem>>, vector<1x1x1000x128xf32>,
    %slice3A_217 = vector.extract_strided_slice %dot_general3A_54 {offsets = [3, 0], sizes = [1, 128], strides = [1, 1]} : vector<4x128xf32> to vector<1x128xf32>
    %mul3A_218 = vector.broadcast %slice3A_217 : vector<1x128xf32> to vector<1000x128xf32>
    %mul3A_219 = vector.broadcast %get3A_57 : vector<1000x1xf32> to vector<1000x128xf32>
    %mul3A_220 = arith.mulf %mul3A_218, %mul3A_219 : vector<1000x128xf32>
    %add3A_221 = vector.broadcast %broadcast_in_dim3A : vector<1x128xf32> to vector<1000x128xf32>
    %add3A_222 = arith.addf %mul3A_220, %add3A_221 : vector<1000x128xf32>
    %slice3A_223 = vector.extract_strided_slice %add3A_11 {offsets = [3, 0], sizes = [1, 128], strides = [1, 1]} : vector<4x128xf32> to vector<1x128xf32>
    %add3A_224 = vector.broadcast %slice3A_223 : vector<1x128xf32> to vector<1000x128xf32>
    %add3A_225 = arith.addf %add3A_224, %add3A_222 : vector<1000x128xf32>
    %logistic3A_226 = arith.negf %add3A_225 : vector<1000x128xf32>
    %logistic3A_227 = math.exp %logistic3A_226 : vector<1000x128xf32>
    %logistic3A_228 = arith.constant 1.000000e+00 : f32
    %logistic3A_229 = vector.broadcast %logistic3A_228 : f32 to vector<1000x128xf32>
    %logistic3A_230 = arith.addf %logistic3A_229, %logistic3A_227 : vector<1000x128xf32>
    %logistic3A_231 = arith.divf %logistic3A_229, %logistic3A_230 : vector<1000x128xf32>
    %slice3A_232 = vector.extract_strided_slice %add3A_21 {offsets = [3, 0], sizes = [1, 128], strides = [1, 1]} : vector<4x128xf32> to vector<1x128xf32>
    %add3A_233 = vector.broadcast %slice3A_232 : vector<1x128xf32> to vector<1000x128xf32>
    %add3A_234 = arith.addf %add3A_233, %add3A_222 : vector<1000x128xf32>
    %logistic3A_235 = arith.negf %add3A_234 : vector<1000x128xf32>
    %logistic3A_236 = math.exp %logistic3A_235 : vector<1000x128xf32>
    %logistic3A_237 = arith.constant 1.000000e+00 : f32
    %logistic3A_238 = vector.broadcast %logistic3A_237 : f32 to vector<1000x128xf32>
    %logistic3A_239 = arith.addf %logistic3A_238, %logistic3A_236 : vector<1000x128xf32>
    %logistic3A_240 = arith.divf %logistic3A_238, %logistic3A_239 : vector<1000x128xf32>
    %slice3A_241 = vector.extract_strided_slice %add3A_31 {offsets = [3, 0], sizes = [1, 128], strides = [1, 1]} : vector<4x128xf32> to vector<1x128xf32>
    %mul3A_242 = arith.mulf %logistic3A_231, %add3A_222 : vector<1000x128xf32>
    %add3A_243 = vector.broadcast %slice3A_241 : vector<1x128xf32> to vector<1000x128xf32>
    %add3A_244 = arith.addf %add3A_243, %mul3A_242 : vector<1000x128xf32>
    %tanh3A_245 = math.tanh %add3A_244 : vector<1000x128xf32>
    %sub3A_246 = arith.constant 1.000000e+00 : f32
    %sub3A_247 = vector.broadcast %sub3A_246 : f32 to vector<1000x128xf32>
    %sub3A_248 = arith.subf %sub3A_247, %logistic3A_240 : vector<1000x128xf32>
    %slice3A_249 = vector.extract_strided_slice %mul3A_49 {offsets = [3, 0], sizes = [1, 128], strides = [1, 1]} : vector<4x128xf32> to vector<1x128xf32>
    %mul3A_250 = vector.broadcast %slice3A_249 : vector<1x128xf32> to vector<1000x128xf32>
    %mul3A_251 = arith.mulf %sub3A_248, %mul3A_250 : vector<1000x128xf32>
    %mul3A_252 = arith.mulf %logistic3A_240, %tanh3A_245 : vector<1000x128xf32>
    %add3A_253 = arith.addf %mul3A_251, %mul3A_252 : vector<1000x128xf32>
    %slice3A_254 = vector.extract_strided_slice %mul3A_49 {offsets = [3, 0], sizes = [1, 128], strides = [1, 1]} : vector<4x128xf32> to vector<1x128xf32>
    %broadcast_in_dim3A_255 = vector.shape_cast %slice3A_254 : vector<1x128xf32> to vector<1x128xf32>
    %broadcast_in_dim3A_256 = vector.broadcast %broadcast_in_dim3A_255 : vector<1x128xf32> to vector<1000x128xf32>
    %swap3A_257 = arith.constant 3 : index
    %swap3A_258 = arith.constant 0 : index
    %swap3A_259 = arith.constant 0 : index
    %swap3A_260 = arith.constant 0 : index
    %swap3A_261 = vector.load %arg11[%swap3A_257, %swap3A_258, %swap3A_259, %swap3A_260] : memref<4x2x1000x128xf32, #tpu.memory_space<vmem>>, vector<1x1x1000x128xf32>
    %swap3A_262 = vector.shape_cast %swap3A_261 : vector<1x1x1000x128xf32> to vector<1000x128xf32>
    %swap3A_263 = vector.shape_cast %broadcast_in_dim3A_256 : vector<1000x128xf32> to vector<1x1x1000x128xf32>
    tpu.vector_store %arg11[%swap3A_257, %swap3A_258, %swap3A_259, %swap3A_260], %swap3A_263 {strides = array<i32>} : memref<4x2x1000x128xf32, #tpu.memory_space<vmem>>, vector<1x1x1000x128xf32>,
    %swap3A_264 = arith.constant 3 : index
    %swap3A_265 = arith.constant 1 : index
    %swap3A_266 = arith.constant 0 : index
    %swap3A_267 = arith.constant 0 : index
    %swap3A_268 = vector.load %arg11[%swap3A_264, %swap3A_265, %swap3A_266, %swap3A_267] : memref<4x2x1000x128xf32, #tpu.memory_space<vmem>>, vector<1x1x1000x128xf32>
    %swap3A_269 = vector.shape_cast %swap3A_268 : vector<1x1x1000x128xf32> to vector<1000x128xf32>
    %swap3A_270 = vector.shape_cast %add3A_253 : vector<1000x128xf32> to vector<1x1x1000x128xf32>
    tpu.vector_store %arg11[%swap3A_264, %swap3A_265, %swap3A_266, %swap3A_267], %swap3A_270 {strides = array<i32>} : memref<4x2x1000x128xf32, #tpu.memory_space<vmem>>, vector<1x1x1000x128xf32>,
    return
  }
  func.func @transform_0(%arg0: i32) -> (i32, i32) {
    %c0_i32 = arith.constant 0 : i32
    %c0_i32_0 = arith.constant 0 : i32
    return %arg0, %c0_i32 : i32, i32
  }
  func.func @transform_1(%arg0: i32) -> (i32, i32) {
    %c0_i32 = arith.constant 0 : i32
    %c0_i32_0 = arith.constant 0 : i32
    %c0_i32_1 = arith.constant 0 : i32
    return %c0_i32, %c0_i32_0 : i32, i32
  }
  func.func @transform_2(%arg0: i32) -> (i32, i32) {
    %c0_i32 = arith.constant 0 : i32
    %c0_i32_0 = arith.constant 0 : i32
    %c0_i32_1 = arith.constant 0 : i32
    return %c0_i32, %c0_i32_0 : i32, i32
  }
  func.func @transform_3(%arg0: i32) -> i32 {
    %c0_i32 = arith.constant 0 : i32
    %c0_i32_0 = arith.constant 0 : i32
    return %c0_i32 : i32
  }
  func.func @transform_4(%arg0: i32) -> (i32, i32) {
    %c0_i32 = arith.constant 0 : i32
    %c0_i32_0 = arith.constant 0 : i32
    %c0_i32_1 = arith.constant 0 : i32
    return %c0_i32, %c0_i32_0 : i32, i32
  }
  func.func @transform_5(%arg0: i32) -> i32 {
    %c0_i32 = arith.constant 0 : i32
    %c0_i32_0 = arith.constant 0 : i32
    return %c0_i32 : i32
  }
  func.func @transform_6(%arg0: i32) -> (i32, i32) {
    %c0_i32 = arith.constant 0 : i32
    %c0_i32_0 = arith.constant 0 : i32
    %c0_i32_1 = arith.constant 0 : i32
    return %c0_i32, %c0_i32_0 : i32, i32
  }
  func.func @transform_7(%arg0: i32) -> i32 {
    %c0_i32 = arith.constant 0 : i32
    %c0_i32_0 = arith.constant 0 : i32
    return %c0_i32 : i32
  }
  func.func @transform_8(%arg0: i32) -> (i32, i32) {
    %c0_i32 = arith.constant 0 : i32
    %c0_i32_0 = arith.constant 0 : i32
    %c0_i32_1 = arith.constant 0 : i32
    return %c0_i32, %c0_i32_0 : i32, i32
  }
  func.func @transform_9(%arg0: i32) -> i32 {
    %c0_i32 = arith.constant 0 : i32
    %c0_i32_0 = arith.constant 0 : i32
    return %c0_i32 : i32
  }
  func.func @transform_10(%arg0: i32) -> (i32, i32, i32, i32) {
    %c0_i32 = arith.constant 0 : i32
    %c0_i32_0 = arith.constant 0 : i32
    %c0_i32_1 = arith.constant 0 : i32
    %c0_i32_2 = arith.constant 0 : i32
    return %c0_i32, %c0_i32_0, %arg0, %c0_i32_1 : i32, i32, i32, i32
  }
}

</mosaic_0001>

<sc_bundles>
// kernel: kernel.4.cloned.1.call-start
scs
__scs_entry_jumppad:
0x0: {  	(pc) =	sbr.rel $0x88, $3  }
0x1: {  	(tag) =	ssettag $0x0;
	lr =	simm.s32 $0x1  }
0x2: {  	[smem:$0x3F97] =	sst lr;
	_ =	strace $0xD0000000  }
0x3: {  	_ = 	snop  }
0x4: {  	_ = 	snop  }
0x5: {  	_ = 	snop  }
0x6: {  	_ = 	snop  }
0x7: {  	_ = 	snop  }
__scs_overlays_trampoline_lowered:
0x8: {  	[smem:$0x3FA6] =	sst s0  }
0x9: {  	[smem:$0x3FA7] =	sst s1  }
0xa: {  	[smem:$0x3FA8] =	sst s2  }
0xb: {  	[smem:$0x3FA9] =	sst s3  }
0xc: {  	[smem:$0x3FAA] =	sst s4  }
0xd: {  	[smem:$0x3FAB] =	sst s5  }
0xe: {  	[smem:$0x3FAC] =	sst s6  }
0xf: {  	[smem:$0x3FAD] =	sst s7  }
0x10: {  	[smem:$0x3FAE] =	sst s8  }
0x11: {  	[smem:$0x3FAF] =	sst s9;
	s0 =	simm.s32 @!p0 $0x0  }
0x12: {  	s1 =	sld [smem:$0x3F95];
	s0 =	simm.s32 @p0 $0x1  }
0x13: {  	[smem:$0x3FB0] =	sst s0;
	s0 =	simm.s32 @!p1 $0x0  }
0x14: {  	s2 =	sld [smem:$0x3F94];
	s0 =	simm.s32 @p1 $0x1  }
0x15: {  	[smem:$0x3FB1] =	sst s0;
	s0 =	simm.s32 @!p2 $0x0  }
0x16: {  	s3 =	sld [smem:$0x3FDB];
	s0 =	simm.s32 @p2 $0x1  }
0x17: {  	s4 =	simm.s32 $0x1BF5;
	[smem:$0x3FB3] =	sst s0  }
0x18: {  	s0 =	sld [smem:$0x3F96];
	_ =	swait.ge [sflag:s4], $0x0  }
0x19: {  	s7 =	sld [smem:$0x3F97]  }
0x1a: {  	s8 =	sadd.s32 $0xFFFFE003, lr  }
0x1b: {  	s9 =	sadd.s32 $0xFFFFFEF7, lr;
	s5 =	simm.s32 $0xFFFFFFFF;
	p2 =	slt.u32 s8, $0xFFFFF086  }
0x1c: {  	p1 =	slt.u32 s9, $0xF7A;
	s5 =	simm.s32 @!p2 $0x0  }
0x1d: {  	s5 =	simm.s32 @p1 $0x1;
	p0 =	seq.s32 s7, s2  }
0x1e: {  	s7 =	smul.u32 @!p0 $0xF7A, s2;
	p2 =	seq.s32 @!p0 s5, $0x0  }
0x1f: {  	s9 =	smul.u32 $0xF7A, s1;
	s8 =	simm.s32 @!p0 $0x1BF5;
	p2 =	por !p2, p0  }
0x20: {  	[sflag:s8] =	ssyncset.s32 @!p0 $0xFFFFF086;
	s6 =	sadd.s32 @!p0 s3, s7;
	s7 =	simm.s32 @!p0 $0x108  }
0x21: {  	s3 =	sadd.s32 s3, s9;
	s6 =	sadd.s32 @!p0 $0x88, s6;
	s7 =	simm.s32 @p2 $0x1082  }
0x22: {  	[simem:s7], [sflag:s8] =	dma.local @!p0 [hbm:s6], $0xF7A  }
0x23: {  	s9 =	sor.u32 $0xD0000000, s2;
	s6 =	simm.s32 $0x108;
	_ =	swait.ge @!p0 [sflag:s8], $0x0  }
0x24: {  	s3 =	sadd.s32 $0x88, s3;
	s6 =	simm.s32 @!p1 $0x1082;
	[sflag:s4] =	ssyncset.s32 $0xFFFFF086  }
0x25: {  	[simem:s6], [sflag:s4] =	dma.local [hbm:s3], $0xF7A  }
0x26: {  	[smem:$0x3F97] =	sst s1;
	(tag) =	ssettag s2;
	_ =	strace s9  }
0x27: {  	s1 =	sld [smem:$0x3FA7]  }
0x28: {  	s2 =	sld [smem:$0x3FA8]  }
0x29: {  	s4 =	sld [smem:$0x3FAA]  }
0x2a: {  	p0 =	seq.s32 s5, $0x0;
	s5 =	sld [smem:$0x3FAB]  }
0x2b: {  	s6 =	sld [smem:$0x3FAC]  }
0x2c: {  	s7 =	sld [smem:$0x3FAD]  }
0x2d: {  	s3 =	simm.s32 $0x108;
	s8 =	sld [smem:$0x3FAE]  }
0x2e: {  	s3 =	simm.s32 @!p0 $0x1082;
	s9 =	sld [smem:$0x3FAF]  }
0x2f: {  	lr =	sadd.s32 s0, s3;
	s0 =	sld [smem:$0x3FA6]  }
0x30: {  	s3 =	sld [smem:$0x3FA9]  }
0x31: {  	[smem:$0x3FB2] =	sst s10  }
0x32: {  	s10 =	sld [smem:$0x3FB0];
	_ =	sdelay $0x3  }
0x33: {  	p0 =	seq.s32 s10, $0x1;
	s10 =	sld [smem:$0x3FB2];
	_ =	sdelay $0x3  }
0x34: {  	[smem:$0x3FB2] =	sst s10  }
0x35: {  	s10 =	sld [smem:$0x3FB1];
	_ =	sdelay $0x3  }
0x36: {  	p1 =	seq.s32 s10, $0x1;
	s10 =	sld [smem:$0x3FB2];
	_ =	sdelay $0x3  }
0x37: {  	[smem:$0x3FB2] =	sst s10  }
0x38: {  	s10 =	sld [smem:$0x3FB3]  }
0x39: {  	_ = 	snop;
	(pc) =	sbr.ind lr, $3  }
0x3a: {  	_ = 	snop  }
0x3b: {  	_ = 	snop  }
0x3c: {  	p2 =	seq.s32 s10, $0x1;
	s10 =	sld [smem:$0x3FB2]  }
0x3d: {  	_ =	shalt  }
0x3e: {  	_ =	shalt  }
0x3f: {  	_ =	shalt  }
0x40: {  	_ =	shalt  }
0x41: {  	_ =	shalt  }
0x42: {  	_ =	shalt  }
0x43: {  	_ =	shalt  }
0x44: {  	_ =	shalt  }
0x45: {  	_ =	shalt  }
0x46: {  	_ =	shalt  }
0x47: {  	_ =	shalt  }
0x48: {  	_ =	shalt  }
0x49: {  	_ =	shalt  }
0x4a: {  	_ =	shalt  }
0x4b: {  	_ =	shalt  }
0x4c: {  	_ =	shalt  }
0x4d: {  	_ =	shalt  }
0x4e: {  	_ =	shalt  }
0x4f: {  	_ =	shalt  }
0x50: {  	_ =	shalt  }
0x51: {  	_ =	shalt  }
0x52: {  	_ =	shalt  }
0x53: {  	_ =	shalt  }
0x54: {  	_ =	shalt  }
0x55: {  	_ =	shalt  }
0x56: {  	_ =	shalt  }
0x57: {  	_ =	shalt  }
0x58: {  	_ =	shalt  }
0x59: {  	_ =	shalt  }
0x5a: {  	_ =	shalt  }
0x5b: {  	_ =	shalt  }
0x5c: {  	_ =	shalt  }
0x5d: {  	_ =	shalt  }
0x5e: {  	_ =	shalt  }
0x5f: {  	_ =	shalt  }
0x60: {  	_ =	shalt  }
0x61: {  	_ =	shalt  }
0x62: {  	_ =	shalt  }
0x63: {  	_ =	shalt  }
0x64: {  	_ =	shalt  }
0x65: {  	_ =	shalt  }
0x66: {  	_ =	shalt  }
0x67: {  	_ =	shalt  }
0x68: {  	_ =	shalt  }
0x69: {  	_ =	shalt  }
0x6a: {  	_ =	shalt  }
0x6b: {  	_ =	shalt  }
0x6c: {  	_ =	shalt  }
0x6d: {  	_ =	shalt  }
0x6e: {  	_ =	shalt  }
0x6f: {  	_ =	shalt  }
0x70: {  	_ =	shalt  }
0x71: {  	_ =	shalt  }
0x72: {  	_ =	shalt  }
0x73: {  	_ =	shalt  }
0x74: {  	_ =	shalt  }
0x75: {  	_ =	shalt  }
0x76: {  	_ =	shalt  }
0x77: {  	_ =	shalt  }
0x78: {  	_ =	shalt  }
0x79: {  	_ =	shalt  }
0x7a: {  	_ =	shalt  }
0x7b: {  	_ =	shalt  }
0x7c: {  	_ =	shalt  }
0x7d: {  	_ =	shalt  }
0x7e: {  	_ =	shalt  }
0x7f: {  	_ =	shalt  }
0x80: {  	_ =	shalt  }
0x81: {  	_ =	shalt  }
0x82: {  	_ =	shalt  }
0x83: {  	_ =	shalt  }
0x84: {  	_ =	shalt  }
0x85: {  	_ =	shalt  }
0x86: {  	_ =	shalt  }
0x87: {  	_ =	shalt  }
.Lfunc_end0:
.L_simem_size_0:
called_computation.1_lowered:
.L_overlay_start_0:
0x88: {  	s2 =	sld [smem:$0x3FD9]  }
0x89: {  	s3 =	sld [smem:$0x3FFE];
	_ =	sdelay $0x1  }
0x8a: {  	s1 =	srdreg.scid  }
0x8b: {  	s0 =	sand.u32 $0x1, s1  }
0x8c: {  	s17 =	sshll.u32 s0, $0xA;
	s2 =	sadd.s32 s3, s2  }
0x8d: {  	s2 =	sadd.s32 s2, s17  }
0x8e: {  	[smem:$0x3FBE] =	sst s2  }
0x8f: {  	_ = 	snop  }
0x90: {  	s2 =	sld [smem:$0x3FD0];
	(tm) =	ssettm $0x1  }
0x91: {  	s18 =	sld [smem:$0x3FFB];
	_ =	sdelay $0x3  }
0x92: {  	_ =	strace s18  }
0x93: {  	s3 =	sld [smem:$0x3FFC];
	_ =	sdelay $0x3  }
0x94: {  	_ =	strace s3  }
0x95: {  	s3 =	sld [smem:$0x3FFD];
	_ =	sdelay $0x3  }
0x96: {  	_ =	strace s3  }
0x97: {  	_ =	strace $0x8FFFFFFF  }
0x98: {  	s19 =	sld [smem:$0x3FDB];
	_ =	sdelay $0x1  }
0x99: {  	s4 =	simm.s32 $_scs_section_size  }
0x9a: {  	s5 =	simm.s32 $_size__tile_overlayer_lowered;
	s6 =	simm.s32 $_tile_overlayer_lowered  }
0x9b: {  	s22 =	simm.s32 $0x1BFF;
	s21 =	sshll.u32 s6, $0x1;
	s3 =	sadd.s32 s4, s19  }
0x9c: {  	s7 =	simm.s32 $0x0;
	s20 =	sshll.u32 s5, $0x1;
	s5 =	sadd.s32 s21, s3  }
0x9d: {  	[timem:s7], [sflag:s22] =	dma.local [hbm:s5], s20  }
0x9e: {  	_ =	swait.ge [sflag:s22], s20  }
0x9f: {  	s4 =	ssub.s32 $0x0, s20;
	[sflag:s22] =	ssyncset.done $0x0  }
0xa0: {  	[sflag:s22] =	ssyncadd.s32 s4;
	_ =	sdelay $0x1  }
0xa1: {  	s23 =	simm.s32 $0x1B8B  }
0xa2: {  	_ =	swait.ge [sflag:s23], $0x1  }
0xa3: {  	[sflag:s23] =	ssyncset.done $0x0  }
0xa4: {  	s25 =	simm.s32 $0x1B8E;
	s24 =	sld [smem:$0x3FFE];
	[sflag:s23] =	ssyncadd.s32 $0xFFFFFFFF  }
0xa5: {  	s26 =	simm.s32 $execute0_lowered;
	[smem:$0x3FD2] =	sst s25  }
0xa6: {  	s5 =	sshll.u32 s26, $0x1;
	_ =	strace $0x80000046;
	[dreg:$0x1] =	wrdreg $0xFFFFFFFF  }
0xa7: {  	s28 =	simm.s32 $_size_execute0_lowered;
	s3 =	sadd.s32 s3, s5;
	[dreg:$0x0] =	wrdreg $0x0  }
0xa8: {  	s5 =	sshll.u32 s28, $0x1;
	[dreg:$0x2] =	wrdreg s3  }
0xa9: {  	[dreg:$0x3] =	wrdreg s5  }
0xaa: {  	[dreg:$0x4] =	wrdreg $0xC0  }
0xab: {  	_ =	task [dreg:s7], $0x5FFFF  }
0xac: {  	[dreg:$0x1] =	wrdreg $0xFFFFFFFF  }
0xad: {  	[dreg:$0x0] =	wrdreg $0x60  }
0xae: {  	[dreg:$0x2] =	wrdreg s2  }
0xaf: {  	[dreg:$0x3] =	wrdreg s24  }
0xb0: {  	[dreg:$0x4] =	wrdreg $0x5A800  }
0xb1: {  	[dreg:$0x5] =	wrdreg $0x5D000  }
0xb2: {  	[dreg:$0x6] =	wrdreg $0x5F800  }
0xb3: {  	[dreg:$0x7] =	wrdreg $0x9  }
0xb4: {  	_ =	task.clear_ibuf [dreg:s7], $0x8FFFF;
	_ =	strace $0x90000046  }
0xb5: {  	s29 =	simm.s32 $0x9;
	_ =	strace $0x80000048  }
0xb6: {  	_ =	swait.ge [sflag:s29], $0x1  }
0xb7: {  	[sflag:s29] =	ssyncadd.s32 $0xFFFFFFFF  }
0xb8: {  	_ =	strace $0x90000048  }
0xb9: {  	_ =	sfence  }
0xba: {  	s30 =	sld [smem:$0x0];
	_ =	sdelay $0x2  }
0xbb: {  	s31 =	sshll.u32 s1, $0xD;
	s1 =	sshrl.u32 s1, $0x2  }
0xbc: {  	s3 =	sand.u32 $0x4000, s31;
	s1 =	sadd.s32 s1, s30  }
0xbd: {  	s0 =	sor.u32 s3, s0;
	s1 =	sshll.u32 s1, $0x11  }
0xbe: {  	s0 =	sor.u32 s1, s0  }
0xbf: {  	s0 =	sadd.s32 $0x8F2B, s0  }
0xc0: {  	[sflag:s0] =	ssyncadd.remote.s32 $0x1  }
0xc1: {  	_ =	sfence.sel $0xFFFF  }
0xc2: {  	[dreg:$0x0] =	wrdreg $0xFFFFFFFF;
	(pc) =	sbr.abs _section_cstart, $3  }
0xc3: {  	[dreg:$0x1] =	wrdreg $0xFFFFFFFF  }
0xc4: {  	_ =	task.clear_ibuf [dreg:s7], $0x2FFFF;
	_ =	strace $0x9FFFFFFF  }
0xc5: {  	(tm) =	ssettm $0x7FFFFFFF  }
tec
execute0_lowered:
.L_overlay_start_1:
0x0: {  	(tag) =	ssettag $0x1  }
0x1: {  	s1 =	rddreg [dreg:$0x0]  }
0x2: {  	s2 =	rddreg [dreg:$0x1]  }
0x3: {  	s0 =	rddreg [dreg:$0x2]  }
0x4: {  	s3 =	rddreg [dreg:$0x3];
	s5 =	srdreg.scid  }
0x5: {  	s4 =	rddreg [dreg:$0x4];
	s10 =	stileid.u32;
	s15 =	simm.s32 $0x1  }
0x6: {  	s17 =	simm.s32 $0x5100;
	s18 =	simm.s32 $0x80;
	s8 =	smul.u32 $0x140, s10  }
0x7: {  	s19 =	simm.s32 $0x5000;
	s21 =	simm.s32 $0x5080;
	s9 =	smul.u32 $0x500, s10  }
0x8: {  	s6 =	sand.u32 $0x1, s5;
	s5 =	simm.s32 $0x0;
	s10 =	smul.u32 $0x280, s10  }
0x9: {  	s25 =	simm.s32 $0x0;
	s7 =	smul.u32 $0x1400, s6;
	[smem:$0x7FF] =	sst s5  }
0xa: {  	s6 =	ssub.s32 $0x2, s6;
	_ =	strace $0x80000047;
	s30 =	sadd.s32 s9, s2  }
0xb: {  	s31 =	sshrl.u32 s6, $0x1;
	s1 =	sadd.s32 s1, s9;
	s9 =	sadd.s32 s10, s3  }
0xc: {  	s12 =	sadd.s32 s8, s7;
	s6 =	ssub.s32 s6, s31;
	[dreg:$0x6] =	wrdreg s1  }
0xd: {  	s7 =	sadd.s32 $0x1200, s30;
	s8 =	sshrl.u32 s12, $0x3;
	s11 =	sadd.s32 s12, s4  }
0xe: {  	s12 =	sadd.s32 s12, s3;
	s14 =	smax.u32 s6, $0x1;
	s2 =	sadd.s32 s8, s2  }
0xf: {  	v0 =	vimm.f32 $1.000000000e+00;
	v1 =	vimm.f32 $0.0e+00;
	s8 =	sadd.s32 s10, s0;
	s10 =	sadd.s32 s10, s4;
	s13 =	sadd.s32 $0x6200, s2  }
.LBB2_1:
0x10: {  	s1 =	rddreg [dreg:$0x6]  }
0x11: {  	[tilespmem:s5], [sflag:$0x1] =	stream.linear.gather [hbm4b:s1+s5], $0x2780, $0x38;
	[tilespmem:$0x6200] =	vst v63  }
0x12: {  	_ =	swait.ge [sflag:s15], $0x2780  }
0x13: {  	[sflag:s15] =	ssyncset.done $0x0  }
0x14: {  	s29 =	simm.s32 $0x2800;
	[sflag:s15] =	ssyncadd.s32 $0xFFFFD880  }
0x15: {  	[tilespmem:s29], [sflag:$0x1] =	stream.linear.gather [hbm4b:s7+s5], $0x2780, $0x38;
	[tilespmem:$0x6200] =	vst v63  }
0x16: {  	_ =	swait.ge [sflag:s15], $0x2780  }
0x17: {  	[sflag:s15] =	ssyncset.done $0x0  }
0x18: {  	[sflag:s15] =	ssyncadd.s32 $0xFFFFD880  }
0x19: {  	[tilespmem:$0x5000] =	vst v0  }
0x1a: {  	[tilespmem:$0x5010] =	vst v0  }
0x1b: {  	[tilespmem:$0x5020] =	vst v0  }
0x1c: {  	[tilespmem:$0x5030] =	vst v0  }
0x1d: {  	[tilespmem:$0x5040] =	vst v0  }
0x1e: {  	[tilespmem:$0x5050] =	vst v0  }
0x1f: {  	[tilespmem:$0x5060] =	vst v0  }
0x20: {  	[tilespmem:$0x5070] =	vst v0  }
0x21: {  	[tilespmem:$0x5100] =	vst v1  }
0x22: {  	[tilespmem:$0x5110] =	vst v1  }
0x23: {  	[tilespmem:$0x5120] =	vst v1  }
0x24: {  	[tilespmem:$0x5130] =	vst v1  }
0x25: {  	[tilespmem:$0x5140] =	vst v1  }
0x26: {  	[tilespmem:$0x5150] =	vst v1  }
0x27: {  	[tilespmem:$0x5160] =	vst v1  }
0x28: {  	[tilespmem:$0x5170] =	vst v1  }
0x29: {  	[tilespmem:$0x5180] =	vst v1  }
0x2a: {  	[tilespmem:$0x5190] =	vst v1  }
0x2b: {  	[tilespmem:$0x51A0] =	vst v1  }
0x2c: {  	[tilespmem:$0x51B0] =	vst v1  }
0x2d: {  	[tilespmem:$0x51C0] =	vst v1  }
0x2e: {  	[tilespmem:$0x51D0] =	vst v1  }
0x2f: {  	[tilespmem:$0x51E0] =	vst v1  }
0x30: {  	[tilespmem:$0x51F0] =	vst v1  }
0x31: {  	[tilespmem:$0x5200] =	vst v1  }
0x32: {  	[tilespmem:$0x5210] =	vst v1  }
0x33: {  	[tilespmem:$0x5220] =	vst v1  }
0x34: {  	[tilespmem:$0x5230] =	vst v1  }
0x35: {  	[tilespmem:$0x5240] =	vst v1  }
0x36: {  	[tilespmem:$0x5250] =	vst v1  }
0x37: {  	[tilespmem:$0x5260] =	vst v1  }
0x38: {  	[tilespmem:$0x5270] =	vst v1  }
0x39: {  	[tilespmem:$0x5280] =	vst v1  }
0x3a: {  	[tilespmem:$0x5290] =	vst v1  }
0x3b: {  	[tilespmem:$0x52A0] =	vst v1  }
0x3c: {  	[tilespmem:$0x52B0] =	vst v1  }
0x3d: {  	[tilespmem:$0x52C0] =	vst v1  }
0x3e: {  	[tilespmem:$0x52D0] =	vst v1  }
0x3f: {  	[tilespmem:$0x52E0] =	vst v1  }
0x40: {  	[tilespmem:$0x52F0] =	vst v1  }
0x41: {  	[tilespmem:$0x5300] =	vst v1  }
0x42: {  	[tilespmem:$0x5310] =	vst v1  }
0x43: {  	[tilespmem:$0x5320] =	vst v1  }
0x44: {  	[tilespmem:$0x5330] =	vst v1  }
0x45: {  	[tilespmem:$0x5340] =	vst v1  }
0x46: {  	[tilespmem:$0x5350] =	vst v1  }
0x47: {  	[tilespmem:$0x5360] =	vst v1  }
0x48: {  	[tilespmem:$0x5370] =	vst v1  }
0x49: {  	[spmem:s8] =	stream.linear.scatter [tilespmem:s17], [sflag:$0x1], $0x280, $0x38;
	[tilespmem:$0x6200] =	vst v63  }
0x4a: {  	_ =	swait.ge [sflag:s15], $0x280  }
0x4b: {  	[sflag:s15] =	ssyncset.done $0x0  }
0x4c: {  	[sflag:s15] =	ssyncadd.s32 $0xFFFFFD80  }
0x4d: {  	[spmem:s9] =	stream.linear.scatter [tilespmem:s17], [sflag:$0x1], $0x280, $0x38;
	[tilespmem:$0x6200] =	vst v63  }
0x4e: {  	_ =	swait.ge [sflag:s15], $0x280  }
0x4f: {  	[sflag:s15] =	ssyncset.done $0x0  }
0x50: {  	[sflag:s15] =	ssyncadd.s32 $0xFFFFFD80  }
0x51: {  	[spmem:s10] =	stream.linear.scatter [tilespmem:s17], [sflag:$0x1], $0x280, $0x38;
	[tilespmem:$0x6200] =	vst v63  }
0x52: {  	_ =	swait.ge [sflag:s15], $0x280  }
0x53: {  	[sflag:s15] =	ssyncset.done $0x0  }
0x54: {  	[sflag:s15] =	ssyncadd.s32 $0xFFFFFD80  }
0x55: {  	s30 =	simm.s32 $0x0;
	[bflag:$0x0] =	sbarrier.arrive $0xFFFF  }
0x56: {  	[spmem:s0] =	stream.indirect.scatter.add.f32 [tilespmem:s19], [sflag:$0x1], $0x1, s30, s18, $0xb8;
	[tilespmem:$0x6200] =	vst v63  }
0x57: {  	_ =	swait.ge [sflag:s15], $0x80  }
0x58: {  	[sflag:s15] =	ssyncset.done $0x0  }
0x59: {  	s31 =	simm.s32 $0x2800;
	[sflag:s15] =	ssyncadd.s32 $0xFFFFFF80  }
0x5a: {  	[spmem:s3] =	stream.indirect.scatter.add.f32 [tilespmem:s19], [sflag:$0x1], $0x1, s31, s18, $0xb8;
	[tilespmem:$0x6200] =	vst v63  }
0x5b: {  	_ =	swait.ge [sflag:s15], $0x80  }
0x5c: {  	s2 =	simm.s32 $0x400;
	s1 =	simm.s32 $0x200;
	[sflag:s15] =	ssyncset.done $0x0  }
.LBB2_2:
0x5d: {  	s6 =	sshra.s32 s1, $0x2  }
0x5e: {  	[sflag:s15] =	ssyncadd.s32 $0xFFFFFF80;
	s1 =	smov.u32 s2;
	s16 =	sadd.s32 $0x200, s2  }
0x5f: {  	[spmem:s0] =	stream.indirect.scatter.add.f32 [tilespmem:s19], [sflag:$0x1], $0x1, s6, s18, $0xb8;
	[tilespmem:$0x6200] =	vst v63  }
0x60: {  	p0 =	sne.s32 s2, $0x9C00;
	_ =	swait.ge [sflag:s15], $0x80  }
.Ltmp0:
0x61: {  	[sflag:s15] =	ssyncset.done $0x0;
	(pc) =	sbr.rel @p0 .LBB2_2-.Ltmp0, $4  }
0x62: {  	s2 =	sadd.s32 $0x2800, s6;
	[sflag:s15] =	ssyncadd.s32 $0xFFFFFF80  }
0x63: {  	[spmem:s3] =	stream.indirect.scatter.add.f32 [tilespmem:s19], [sflag:$0x1], $0x1, s2, s18, $0xb8;
	[tilespmem:$0x6200] =	vst v63  }
0x64: {  	_ =	swait.ge [sflag:s15], $0x80  }
0x65: {  	s2 =	smov.u32 s16;
	[sflag:s15] =	ssyncset.done $0x0  }
0x66: {  	s1 =	sshra.s32 s1, $0x2;
	[sflag:s15] =	ssyncadd.s32 $0xFFFFFF80  }
0x67: {  	[spmem:s0] =	stream.indirect.scatter.add.f32 [tilespmem:s19], [sflag:$0x1], $0x1, s1, s18, $0xb8;
	[tilespmem:$0x6200] =	vst v63  }
0x68: {  	_ =	swait.ge [sflag:s15], $0x80  }
0x69: {  	[sflag:s15] =	ssyncset.done $0x0  }
0x6a: {  	s1 =	sadd.s32 $0x2800, s1;
	[sflag:s15] =	ssyncadd.s32 $0xFFFFFF80  }
0x6b: {  	[spmem:s3] =	stream.indirect.scatter.add.f32 [tilespmem:s19], [sflag:$0x1], $0x1, s1, s18, $0xb8;
	[tilespmem:$0x6200] =	vst v63  }
0x6c: {  	_ =	swait.ge [sflag:s15], $0x80  }
0x6d: {  	[sflag:s15] =	ssyncset.done $0x0  }
0x6e: {  	[sflag:s15] =	ssyncadd.s32 $0xFFFFFF80  }
0x6f: {  	[bflag:$0x0] =	sbarrier.arrive $0xFFFF  }
0x70: {  	[tilespmem:s17], [sflag:$0x1] =	stream.linear.gather [spmem:s8], $0x280, $0x38;
	[tilespmem:$0x6200] =	vst v63  }
0x71: {  	_ =	swait.ge [sflag:s15], $0x280  }
0x72: {  	[sflag:s15] =	ssyncset.done $0x0  }
0x73: {  	s26 =	simm.s32 $0x0;
	[sflag:s15] =	ssyncadd.s32 $0xFFFFFD80  }
0x74: {  	v2 =	vld [tilespmem:s26+$0x5100];
	_ =	sdelay $0x4  }
0x75: {  	v12 =	vmax.f32 v2, $1.000000000e+00  }
0x76: {  	(erf) = vrcp.f32 v12;
	_ =	sdelay $0x7  }
0x77: {  	s28 =	simm.s32 $0x10  }
0x78: {  	v3 =	vld [tilespmem:s28+$0x5100];
	v2 =	vpop (erf)  }
0x79: {  	v2 =	vmul.f32 v2, v12;
	_ =	sdelay $0x1  }
0x7a: {  	v2 =	vadd.f32 v2, v12;
	_ =	sdelay $0x1  }
0x7b: {  	v10 =	vmax.f32 v3, $1.000000000e+00;
	v2 =	vmul.f32 $5.000000000e-01, v2  }
0x7c: {  	(erf) = vrcp.f32 v10  }
0x7d: {  	(erf) = vrcp.f32 v2;
	_ =	sdelay $0x7  }
0x7e: {  	s29 =	simm.s32 $0x20;
	v3 =	vpop (erf)  }
0x7f: {  	v4 =	vld [tilespmem:s29+$0x5100];
	v5 =	vpop (erf)  }
0x80: {  	v5 =	vmul.f32 v5, v12;
	_ =	sdelay $0x1  }
0x81: {  	v2 =	vadd.f32 v5, v2;
	_ =	sdelay $0x1  }
0x82: {  	v9 =	vmax.f32 v4, $1.000000000e+00;
	v2 =	vmul.f32 $5.000000000e-01, v2  }
0x83: {  	(erf) = vrcp.f32 v9  }
0x84: {  	(erf) = vrcp.f32 v2  }
0x85: {  	v3 =	vmul.f32 v3, v10;
	_ =	sdelay $0x1  }
0x86: {  	v3 =	vadd.f32 v3, v10;
	_ =	sdelay $0x1  }
0x87: {  	v3 =	vmul.f32 $5.000000000e-01, v3;
	_ =	sdelay $0x1  }
0x88: {  	(erf) = vrcp.f32 v3  }
0x89: {  	v4 =	vpop (erf)  }
0x8a: {  	v5 =	vpop (erf)  }
0x8b: {  	v5 =	vmul.f32 v5, v12;
	_ =	sdelay $0x1  }
0x8c: {  	v2 =	vadd.f32 v5, v2;
	_ =	sdelay $0x1  }
0x8d: {  	v2 =	vmul.f32 $5.000000000e-01, v2  }
0x8e: {  	s30 =	simm.s32 $0x30  }
0x8f: {  	v6 =	vpop (erf);
	v5 =	vld [tilespmem:s30+$0x5100];
	(erf) = vrcp.f32 v2  }
0x90: {  	v6 =	vmul.f32 v6, v10;
	_ =	sdelay $0x1  }
0x91: {  	v3 =	vadd.f32 v6, v3;
	_ =	sdelay $0x1  }
0x92: {  	v3 =	vmul.f32 $5.000000000e-01, v3;
	v7 =	vmax.f32 v5, $1.000000000e+00  }
0x93: {  	(erf) = vrcp.f32 v7  }
0x94: {  	(erf) = vrcp.f32 v3  }
0x95: {  	v4 =	vmul.f32 v4, v9  }
0x96: {  	v5 =	vpop (erf)  }
0x97: {  	v4 =	vadd.f32 v4, v9;
	v5 =	vmul.f32 v5, v12;
	_ =	sdelay $0x1  }
0x98: {  	v4 =	vmul.f32 $5.000000000e-01, v4;
	v2 =	vadd.f32 v5, v2;
	_ =	sdelay $0x1  }
0x99: {  	(erf) = vrcp.f32 v4;
	v2 =	vmul.f32 $5.000000000e-01, v2  }
0x9a: {  	v6 =	vpop (erf)  }
0x9b: {  	v5 =	vpop (erf);
	(erf) = vrcp.f32 v2  }
0x9c: {  	v5 =	vmul.f32 v5, v10;
	_ =	sdelay $0x1  }
0x9d: {  	v3 =	vadd.f32 v5, v3;
	_ =	sdelay $0x1  }
0x9e: {  	v3 =	vmul.f32 $5.000000000e-01, v3  }
0x9f: {  	s31 =	simm.s32 $0x40  }
0xa0: {  	v8 =	vpop (erf);
	v5 =	vld [tilespmem:s31+$0x5100];
	(erf) = vrcp.f32 v3  }
0xa1: {  	v8 =	vmul.f32 v8, v9  }
0xa2: {  	v11 =	vpop (erf)  }
0xa3: {  	v4 =	vadd.f32 v8, v4;
	v8 =	vmul.f32 v11, v12  }
0xa4: {  	v6 =	vmul.f32 v6, v7  }
0xa5: {  	v4 =	vmul.f32 $5.000000000e-01, v4;
	v5 =	vmax.f32 v5, $1.000000000e+00;
	v2 =	vadd.f32 v8, v2  }
0xa6: {  	(erf) = vrcp.f32 v5  }
0xa7: {  	v6 =	vadd.f32 v6, v7;
	(erf) = vrcp.f32 v4;
	v2 =	vmul.f32 $5.000000000e-01, v2;
	_ =	sdelay $0x1  }
0xa8: {  	v6 =	vmul.f32 $5.000000000e-01, v6;
	v8 =	vpop (erf);
	(erf) = vrcp.f32 v2  }
0xa9: {  	v8 =	vmul.f32 v8, v10  }
0xaa: {  	(erf) = vrcp.f32 v6  }
0xab: {  	v3 =	vadd.f32 v8, v3;
	_ =	sdelay $0x1  }
0xac: {  	v8 =	vmul.f32 $5.000000000e-01, v3  }
0xad: {  	v11 =	vpop (erf)  }
0xae: {  	s1 =	simm.s32 $0x50;
	v3 =	vpop (erf);
	(erf) = vrcp.f32 v8  }
0xaf: {  	v13 =	vld [tilespmem:s1+$0x5100];
	v3 =	vmul.f32 v3, v9  }
0xb0: {  	v14 =	vpop (erf)  }
0xb1: {  	v3 =	vadd.f32 v3, v4;
	v4 =	vmul.f32 v14, v12  }
0xb2: {  	v14 =	vpop (erf)  }
0xb3: {  	v15 =	vmul.f32 $5.000000000e-01, v3;
	v2 =	vadd.f32 v4, v2;
	v4 =	vmul.f32 v14, v7  }
0xb4: {  	v3 =	vmax.f32 v13, $1.000000000e+00  }
0xb5: {  	(erf) = vrcp.f32 v15;
	v2 =	vmul.f32 $5.000000000e-01, v2;
	v4 =	vadd.f32 v4, v6  }
0xb6: {  	(erf) = vrcp.f32 v3  }
0xb7: {  	v6 =	vpop (erf);
	(erf) = vrcp.f32 v2;
	v4 =	vmul.f32 $5.000000000e-01, v4  }
0xb8: {  	v6 =	vmul.f32 v6, v10  }
0xb9: {  	(erf) = vrcp.f32 v4  }
0xba: {  	v6 =	vadd.f32 v6, v8;
	_ =	sdelay $0x1  }
0xbb: {  	v6 =	vmul.f32 $5.000000000e-01, v6  }
0xbc: {  	v8 =	vmul.f32 v11, v5  }
0xbd: {  	v11 =	vpop (erf);
	(erf) = vrcp.f32 v6  }
0xbe: {  	v8 =	vadd.f32 v8, v5;
	v13 =	vpop (erf)  }
0xbf: {  	v11 =	vmul.f32 v11, v9;
	v14 =	vpop (erf)  }
0xc0: {  	v8 =	vmul.f32 $5.000000000e-01, v8;
	v14 =	vmul.f32 v14, v12  }
0xc1: {  	v11 =	vadd.f32 v11, v15;
	v15 =	vpop (erf)  }
0xc2: {  	(erf) = vrcp.f32 v8;
	v2 =	vadd.f32 v14, v2;
	v14 =	vmul.f32 v15, v7;
	_ =	sdelay $0x1  }
0xc3: {  	v11 =	vmul.f32 $5.000000000e-01, v11  }
0xc4: {  	s2 =	simm.s32 $0x60;
	v15 =	vmul.f32 $5.000000000e-01, v2;
	v2 =	vadd.f32 v14, v4  }
0xc5: {  	(erf) = vrcp.f32 v11;
	v4 =	vld [tilespmem:s2+$0x5100];
	v14 =	vpop (erf)  }
0xc6: {  	v16 =	vmul.f32 $5.000000000e-01, v2;
	v2 =	vmul.f32 v14, v10;
	_ =	sdelay $0x1  }
0xc7: {  	(erf) = vrcp.f32 v15;
	v6 =	vadd.f32 v2, v6  }
0xc8: {  	(erf) = vrcp.f32 v16  }
0xc9: {  	v14 =	vpop (erf);
	v2 =	vmax.f32 v4, $1.000000000e+00;
	v6 =	vmul.f32 $5.000000000e-01, v6  }
0xca: {  	v4 =	vmul.f32 v14, v5;
	(erf) = vrcp.f32 v2  }
0xcb: {  	(erf) = vrcp.f32 v6  }
0xcc: {  	v4 =	vadd.f32 v4, v8  }
0xcd: {  	v14 =	vpop (erf)  }
0xce: {  	v8 =	vmul.f32 v14, v9;
	v4 =	vmul.f32 $5.000000000e-01, v4;
	_ =	sdelay $0x1  }
0xcf: {  	v13 =	vmul.f32 v13, v3;
	v8 =	vadd.f32 v8, v11;
	v14 =	vpop (erf);
	(erf) = vrcp.f32 v4  }
0xd0: {  	v11 =	vmul.f32 v14, v12;
	v14 =	vpop (erf)  }
0xd1: {  	v13 =	vadd.f32 v13, v3;
	v8 =	vmul.f32 $5.000000000e-01, v8;
	v14 =	vmul.f32 v14, v7  }
0xd2: {  	v11 =	vadd.f32 v11, v15;
	v15 =	vpop (erf)  }
0xd3: {  	v13 =	vmul.f32 $5.000000000e-01, v13;
	(erf) = vrcp.f32 v8;
	v14 =	vadd.f32 v14, v16;
	v16 =	vpop (erf)  }
0xd4: {  	v11 =	vmul.f32 $5.000000000e-01, v11;
	v16 =	vmul.f32 v16, v10  }
0xd5: {  	(erf) = vrcp.f32 v13  }
0xd6: {  	(erf) = vrcp.f32 v11;
	_ =	sdelay $0x1  }
0xd7: {  	v6 =	vadd.f32 v16, v6;
	v16 =	vpop (erf)  }
0xd8: {  	v14 =	vmul.f32 $5.000000000e-01, v14;
	v16 =	vmul.f32 v16, v5;
	_ =	sdelay $0x1  }
0xd9: {  	(erf) = vrcp.f32 v14;
	v6 =	vmul.f32 $5.000000000e-01, v6;
	v4 =	vadd.f32 v16, v4;
	_ =	sdelay $0x1  }
0xda: {  	(erf) = vrcp.f32 v6;
	v16 =	vpop (erf)  }
0xdb: {  	s16 =	simm.s32 $0x70;
	v18 =	vpop (erf);
	v16 =	vmul.f32 v16, v9  }
0xdc: {  	v17 =	vld [tilespmem:s16+$0x5100];
	v19 =	vmul.f32 $5.000000000e-01, v4;
	v4 =	vpop (erf)  }
0xdd: {  	v8 =	vadd.f32 v16, v8;
	v16 =	vmul.f32 v4, v12;
	_ =	sdelay $0x1  }
0xde: {  	(erf) = vrcp.f32 v19  }
0xdf: {  	v18 =	vmul.f32 v18, v3  }
0xe0: {  	v4 =	vmax.f32 v17, $1.000000000e+00;
	v8 =	vmul.f32 $5.000000000e-01, v8;
	v11 =	vadd.f32 v16, v11;
	v16 =	vpop (erf)  }
0xe1: {  	(erf) = vrcp.f32 v4;
	v13 =	vadd.f32 v18, v13;
	v16 =	vmul.f32 v16, v7  }
0xe2: {  	(erf) = vrcp.f32 v8;
	v11 =	vmul.f32 $5.000000000e-01, v11;
	v17 =	vpop (erf)  }
0xe3: {  	v13 =	vmul.f32 $5.000000000e-01, v13;
	v14 =	vadd.f32 v16, v14;
	v16 =	vmul.f32 v17, v10  }
0xe4: {  	(erf) = vrcp.f32 v11  }
0xe5: {  	v15 =	vmul.f32 v15, v2;
	(erf) = vrcp.f32 v13  }
0xe6: {  	v6 =	vadd.f32 v16, v6  }
0xe7: {  	v15 =	vadd.f32 v15, v2;
	v14 =	vmul.f32 $5.000000000e-01, v14;
	v16 =	vpop (erf)  }
0xe8: {  	v17 =	vmul.f32 $5.000000000e-01, v6;
	v6 =	vmul.f32 v16, v5  }
0xe9: {  	v15 =	vmul.f32 $5.000000000e-01, v15  }
0xea: {  	(erf) = vrcp.f32 v14;
	v16 =	vpop (erf);
	v6 =	vadd.f32 v6, v19  }
0xeb: {  	(erf) = vrcp.f32 v15;
	v18 =	vpop (erf)  }
0xec: {  	(erf) = vrcp.f32 v17;
	v18 =	vmul.f32 v18, v9  }
0xed: {  	v19 =	vpop (erf);
	v20 =	vmul.f32 $5.000000000e-01, v6  }
0xee: {  	v8 =	vadd.f32 v18, v8;
	v18 =	vmul.f32 v19, v12;
	v6 =	vpop (erf)  }
0xef: {  	(erf) = vrcp.f32 v20;
	v6 =	vmul.f32 v6, v3  }
0xf0: {  	v11 =	vadd.f32 v18, v11  }
0xf1: {  	v8 =	vmul.f32 $5.000000000e-01, v8;
	v6 =	vadd.f32 v6, v13  }
0xf2: {  	s22 =	simm.s32 $0x80;
	v11 =	vmul.f32 $5.000000000e-01, v11  }
0xf3: {  	v18 =	vpop (erf);
	(erf) = vrcp.f32 v8;
	v13 =	vld [tilespmem:s22+$0x5100];
	v21 =	vmul.f32 $5.000000000e-01, v6  }
0xf4: {  	v19 =	vpop (erf);
	(erf) = vrcp.f32 v11;
	v6 =	vmul.f32 v18, v7  }
0xf5: {  	v18 =	vpop (erf);
	(erf) = vrcp.f32 v21  }
0xf6: {  	v18 =	vmul.f32 v18, v10;
	v14 =	vadd.f32 v6, v14  }
0xf7: {  	v19 =	vmul.f32 v19, v2  }
0xf8: {  	v6 =	vmax.f32 v13, $1.000000000e+00;
	v13 =	vmul.f32 $5.000000000e-01, v14;
	v14 =	vadd.f32 v18, v17;
	v17 =	vpop (erf)  }
0xf9: {  	v15 =	vadd.f32 v19, v15;
	(erf) = vrcp.f32 v6;
	v17 =	vmul.f32 v17, v5  }
0xfa: {  	(erf) = vrcp.f32 v13;
	v14 =	vmul.f32 $5.000000000e-01, v14  }
0xfb: {  	v15 =	vmul.f32 $5.000000000e-01, v15  }
0xfc: {  	v16 =	vmul.f32 v16, v4;
	v18 =	vpop (erf);
	v17 =	vadd.f32 v17, v20;
	(erf) = vrcp.f32 v14  }
0xfd: {  	v18 =	vmul.f32 v18, v9;
	v19 =	vpop (erf);
	(erf) = vrcp.f32 v15  }
0xfe: {  	v16 =	vadd.f32 v16, v4;
	v17 =	vmul.f32 $5.000000000e-01, v17;
	v20 =	vpop (erf)  }
0xff: {  	v8 =	vadd.f32 v18, v8;
	v18 =	vmul.f32 v19, v12;
	v19 =	vmul.f32 v20, v3  }
0x100: {  	v16 =	vmul.f32 $5.000000000e-01, v16  }
0x101: {  	(erf) = vrcp.f32 v17;
	v20 =	vmul.f32 $5.000000000e-01, v8  }
0x102: {  	v8 =	vadd.f32 v18, v11;
	(erf) = vrcp.f32 v16;
	v11 =	vpop (erf)  }
0x103: {  	v18 =	vadd.f32 v19, v21;
	v19 =	vpop (erf);
	(erf) = vrcp.f32 v20  }
0x104: {  	v21 =	vmul.f32 $5.000000000e-01, v8;
	v8 =	vmul.f32 v19, v7  }
0x105: {  	v18 =	vmul.f32 $5.000000000e-01, v18;
	v19 =	vpop (erf)  }
0x106: {  	(erf) = vrcp.f32 v21;
	v22 =	vpop (erf);
	v8 =	vadd.f32 v8, v13;
	v13 =	vmul.f32 v19, v10  }
0x107: {  	(erf) = vrcp.f32 v18;
	v19 =	vmul.f32 v22, v2  }
0x108: {  	s23 =	simm.s32 $0x90;
	v22 =	vmul.f32 $5.000000000e-01, v8;
	v8 =	vadd.f32 v13, v14  }
0x109: {  	v13 =	vld [tilespmem:s23+$0x5100];
	v14 =	vadd.f32 v19, v15  }
0x10a: {  	v15 =	vpop (erf);
	(erf) = vrcp.f32 v22;
	v19 =	vmul.f32 $5.000000000e-01, v8  }
0x10b: {  	v23 =	vpop (erf);
	v14 =	vmul.f32 $5.000000000e-01, v14;
	v8 =	vmul.f32 v15, v5  }
0x10c: {  	v15 =	vpop (erf);
	(erf) = vrcp.f32 v19  }
0x10d: {  	v17 =	vadd.f32 v8, v17;
	(erf) = vrcp.f32 v14;
	v15 =	vmul.f32 v15, v9  }
0x10e: {  	v8 =	vmax.f32 v13, $1.000000000e+00;
	v13 =	vmul.f32 v23, v4  }
0x10f: {  	v23 =	vpop (erf);
	v17 =	vmul.f32 $5.000000000e-01, v17;
	v15 =	vadd.f32 v15, v20  }
0x110: {  	v24 =	vpop (erf);
	(erf) = vrcp.f32 v8;
	v20 =	vmul.f32 v23, v12;
	v13 =	vadd.f32 v13, v16  }
0x111: {  	v16 =	vmul.f32 v24, v3;
	v15 =	vmul.f32 $5.000000000e-01, v15  }
0x112: {  	(erf) = vrcp.f32 v17;
	v20 =	vadd.f32 v20, v21;
	v13 =	vmul.f32 $5.000000000e-01, v13  }
0x113: {  	v11 =	vmul.f32 v11, v6;
	v16 =	vadd.f32 v16, v18;
	(erf) = vrcp.f32 v15  }
0x114: {  	v21 =	vpop (erf);
	v20 =	vmul.f32 $5.000000000e-01, v20;
	(erf) = vrcp.f32 v13  }
0x115: {  	v11 =	vadd.f32 v11, v6;
	v16 =	vmul.f32 $5.000000000e-01, v16;
	v18 =	vmul.f32 v21, v7;
	v21 =	vpop (erf)  }
0x116: {  	(erf) = vrcp.f32 v20;
	v23 =	vpop (erf);
	v21 =	vmul.f32 v21, v10  }
0x117: {  	v18 =	vadd.f32 v18, v22;
	v22 =	vmul.f32 $5.000000000e-01, v11;
	v11 =	vmul.f32 v23, v2  }
0x118: {  	v19 =	vadd.f32 v21, v19  }
0x119: {  	(erf) = vrcp.f32 v16;
	v18 =	vmul.f32 $5.000000000e-01, v18;
	v11 =	vadd.f32 v11, v14  }
0x11a: {  	(erf) = vrcp.f32 v22;
	v21 =	vpop (erf);
	v19 =	vmul.f32 $5.000000000e-01, v19  }
0x11b: {  	(erf) = vrcp.f32 v18;
	v14 =	vpop (erf);
	v23 =	vmul.f32 $5.000000000e-01, v11  }
0x11c: {  	v11 =	vmul.f32 v14, v5;
	v14 =	vpop (erf);
	(erf) = vrcp.f32 v19  }
0x11d: {  	v24 =	vpop (erf);
	(erf) = vrcp.f32 v23  }
0x11e: {  	v14 =	vmul.f32 v14, v9;
	v11 =	vadd.f32 v11, v17;
	v17 =	vmul.f32 v24, v4  }
0x11f: {  	v24 =	vpop (erf)  }
0x120: {  	s24 =	simm.s32 $0xA0;
	v25 =	vmul.f32 $5.000000000e-01, v11;
	v11 =	vadd.f32 v14, v15;
	v14 =	vmul.f32 v24, v12  }
0x121: {  	v15 =	vld [tilespmem:s24+$0x5100];
	v13 =	vadd.f32 v17, v13  }
0x122: {  	v17 =	vpop (erf);
	(erf) = vrcp.f32 v25;
	v24 =	vmul.f32 $5.000000000e-01, v11  }
0x123: {  	v11 =	vadd.f32 v14, v20;
	v26 =	vmul.f32 $5.000000000e-01, v13;
	v13 =	vmul.f32 v17, v3  }
0x124: {  	v14 =	vpop (erf);
	(erf) = vrcp.f32 v24  }
0x125: {  	v27 =	vmul.f32 $5.000000000e-01, v11;
	v17 =	vpop (erf);
	(erf) = vrcp.f32 v26;
	v13 =	vadd.f32 v13, v16  }
0x126: {  	v11 =	vmax.f32 v15, $1.000000000e+00;
	v14 =	vmul.f32 v14, v6;
	v16 =	vmul.f32 v17, v7;
	v15 =	vpop (erf)  }
0x127: {  	(erf) = vrcp.f32 v27;
	v17 =	vpop (erf);
	v28 =	vmul.f32 $5.000000000e-01, v13  }
0x128: {  	v14 =	vadd.f32 v14, v22;
	v13 =	vadd.f32 v16, v18;
	v18 =	vmul.f32 v17, v2  }
0x129: {  	(erf) = vrcp.f32 v11;
	v16 =	vmul.f32 v15, v10  }
0x12a: {  	v17 =	vmul.f32 $5.000000000e-01, v14;
	v15 =	vmul.f32 $5.000000000e-01, v13;
	v14 =	vadd.f32 v18, v23  }
0x12b: {  	(erf) = vrcp.f32 v28;
	v13 =	vadd.f32 v16, v19  }
0x12c: {  	v16 =	vmul.f32 v21, v8;
	(erf) = vrcp.f32 v15  }
0x12d: {  	v18 =	vpop (erf);
	v19 =	vmul.f32 $5.000000000e-01, v13;
	(erf) = vrcp.f32 v17  }
0x12e: {  	v13 =	vadd.f32 v16, v8;
	v16 =	vmul.f32 v18, v5;
	v18 =	vmul.f32 $5.000000000e-01, v14;
	v14 =	vpop (erf)  }
0x12f: {  	(erf) = vrcp.f32 v19;
	v14 =	vmul.f32 v14, v9  }
0x130: {  	v13 =	vmul.f32 $5.000000000e-01, v13;
	v20 =	vpop (erf);
	v16 =	vadd.f32 v16, v25  }
0x131: {  	(erf) = vrcp.f32 v18;
	v21 =	vmul.f32 v20, v4;
	v22 =	vpop (erf)  }
0x132: {  	v20 =	vmul.f32 $5.000000000e-01, v16;
	v16 =	vadd.f32 v14, v24;
	v12 =	vmul.f32 v22, v12  }
0x133: {  	(erf) = vrcp.f32 v13;
	v22 =	vadd.f32 v21, v26;
	v14 =	vpop (erf)  }
0x134: {  	(erf) = vrcp.f32 v20;
	v21 =	vmul.f32 $5.000000000e-01, v16;
	v12 =	vadd.f32 v12, v27;
	v23 =	vpop (erf)  }
0x135: {  	v16 =	vmul.f32 $5.000000000e-01, v22;
	v22 =	vmul.f32 v23, v3  }
0x136: {  	v25 =	vpop (erf);
	(erf) = vrcp.f32 v21;
	v12 =	vmul.f32 $5.000000000e-01, v12  }
0x137: {  	s20 =	simm.s32 $0x2C0;
	v24 =	vpop (erf);
	(erf) = vrcp.f32 v16;
	v23 =	vadd.f32 v22, v28;
	v22 =	vmul.f32 v25, v7  }
.LBB2_4:
0x138: {  	p0 =	sne.s32 s20, $0x9C0;
	v24 =	vmul.f32 v24, v6;
	v25 =	vpop (erf);
	(erf) = vrcp.f32 v12;
	v26 =	vmov v6  }
0x139: {  	s6 =	sshra.s32 s20, $0x2;
	v6 =	vmovc v8;
	v8 =	vmovc v11;
	v12 =	vmul.f32 $5.000000000e-01, v23;
	v15 =	vadd.f32 v22, v15;
	v22 =	vmul.f32 v25, v10  }
0x13a: {  	v11 =	vld [tilespmem:s6+$0x5100];
	v17 =	vadd.f32 v24, v17;
	v23 =	vpop (erf)  }
0x13b: {  	(erf) = vrcp.f32 v12;
	v24 =	vmul.f32 $5.000000000e-01, v15;
	v15 =	vadd.f32 v22, v19  }
0x13c: {  	v19 =	vpop (erf);
	v22 =	vmul.f32 $5.000000000e-01, v17;
	v17 =	vmul.f32 v23, v2  }
0x13d: {  	v23 =	vpop (erf);
	(erf) = vrcp.f32 v24;
	v25 =	vmul.f32 $5.000000000e-01, v15  }
0x13e: {  	(erf) = vrcp.f32 v22;
	v15 =	vadd.f32 v17, v18;
	v17 =	vmul.f32 v23, v5  }
0x13f: {  	v18 =	vmul.f32 v19, v6;
	v11 =	vmax.f32 v11, $1.000000000e+00;
	v19 =	vpop (erf);
	(erf) = vrcp.f32 v25  }
0x140: {  	v23 =	vpop (erf);
	v27 =	vmul.f32 $5.000000000e-01, v15;
	v15 =	vadd.f32 v17, v20;
	v17 =	vmul.f32 v19, v9  }
0x141: {  	v13 =	vadd.f32 v18, v13;
	(erf) = vrcp.f32 v11;
	v18 =	vmul.f32 v23, v4;
	v19 =	vpop (erf)  }
0x142: {  	(erf) = vrcp.f32 v27;
	v15 =	vmul.f32 $5.000000000e-01, v15;
	v20 =	vadd.f32 v17, v21;
	[tilespmem:s26+$0x5380] =	vst v19;
	s26 =	smov.u32 s28;
	s28 =	smov.u32 s29;
	s29 =	smov.u32 s30  }
0x143: {  	v14 =	vmul.f32 v14, v8;
	v17 =	vmul.f32 $5.000000000e-01, v13;
	s30 =	smov.u32 s31;
	s31 =	smov.u32 s1;
	s1 =	smov.u32 s2  }
0x144: {  	s2 =	smov.u32 s16;
	s16 =	smov.u32 s22;
	s22 =	smov.u32 s23;
	v13 =	vadd.f32 v18, v16;
	v16 =	vpop (erf);
	(erf) = vrcp.f32 v15;
	v19 =	vmul.f32 $5.000000000e-01, v20  }
0x145: {  	v21 =	vadd.f32 v14, v8;
	s23 =	smov.u32 s24;
	s24 =	smov.u32 s6;
	(erf) = vrcp.f32 v17;
	v16 =	vmul.f32 v16, v3  }
0x146: {  	v18 =	vmul.f32 $5.000000000e-01, v13;
	v20 =	vpop (erf);
	(erf) = vrcp.f32 v19  }
0x147: {  	v13 =	vmul.f32 $5.000000000e-01, v21;
	v14 =	vpop (erf);
	v12 =	vadd.f32 v16, v12;
	v16 =	vmul.f32 v20, v7  }
0x148: {  	v21 =	vmul.f32 v14, v26;
	(erf) = vrcp.f32 v18;
	v14 =	vpop (erf)  }
0x149: {  	v20 =	vmul.f32 $5.000000000e-01, v12;
	v12 =	vadd.f32 v16, v24;
	v16 =	vmul.f32 v14, v10;
	v10 =	vmovc v9;
	v9 =	vmovc v7  }
.Ltmp1:
0x14a: {  	v7 =	vmov v5;
	v14 =	vpop (erf);
	(erf) = vrcp.f32 v13;
	v22 =	vadd.f32 v21, v22;
	(pc) =	sbr.rel @p0 .LBB2_4-.Ltmp1, $4  }
0x14b: {  	v5 =	vpop (erf);
	(erf) = vrcp.f32 v20;
	v21 =	vmul.f32 $5.000000000e-01, v12;
	v12 =	vadd.f32 v16, v25  }
0x14c: {  	v16 =	vmul.f32 $5.000000000e-01, v22;
	v22 =	vmul.f32 v5, v2;
	v5 =	vmovc v3;
	v3 =	vmovc v2;
	v2 =	vmov v4  }
0x14d: {  	v4 =	vmov v26;
	v25 =	vpop (erf);
	(erf) = vrcp.f32 v21;
	v12 =	vmul.f32 $5.000000000e-01, v12  }
0x14e: {  	s20 =	sadd.s32 $0x40, s20;
	v24 =	vpop (erf);
	(erf) = vrcp.f32 v16;
	v23 =	vadd.f32 v22, v27;
	v22 =	vmul.f32 v25, v7  }
0x14f: {  	v24 =	vmul.f32 v24, v6  }
0x150: {  	v25 =	vpop (erf);
	(erf) = vrcp.f32 v12;
	v23 =	vmul.f32 $5.000000000e-01, v23;
	v12 =	vadd.f32 v22, v15  }
0x151: {  	v15 =	vmul.f32 v25, v10;
	v17 =	vadd.f32 v24, v17  }
0x152: {  	v22 =	vpop (erf);
	(erf) = vrcp.f32 v23;
	v24 =	vmul.f32 $5.000000000e-01, v12  }
0x153: {  	v12 =	vadd.f32 v15, v19;
	v15 =	vmul.f32 v22, v2;
	v17 =	vmul.f32 $5.000000000e-01, v17  }
0x154: {  	v19 =	vpop (erf);
	(erf) = vrcp.f32 v24  }
0x155: {  	v22 =	vpop (erf);
	v25 =	vmul.f32 $5.000000000e-01, v12;
	v12 =	vadd.f32 v15, v18;
	(erf) = vrcp.f32 v17  }
0x156: {  	v15 =	vmul.f32 v22, v5  }
0x157: {  	v18 =	vmul.f32 v19, v8;
	v22 =	vmul.f32 $5.000000000e-01, v12  }
0x158: {  	v14 =	vmul.f32 v14, v11;
	v19 =	vpop (erf);
	(erf) = vrcp.f32 v25;
	v15 =	vadd.f32 v15, v20  }
0x159: {  	v13 =	vadd.f32 v18, v13;
	v19 =	vmul.f32 v19, v9;
	v12 =	vpop (erf);
	(erf) = vrcp.f32 v22  }
0x15a: {  	v18 =	vmul.f32 v12, v4;
	v12 =	vpop (erf);
	v15 =	vmul.f32 $5.000000000e-01, v15  }
0x15b: {  	v14 =	vadd.f32 v14, v11;
	v13 =	vmul.f32 $5.000000000e-01, v13;
	v19 =	vadd.f32 v19, v21;
	v20 =	vpop (erf)  }
0x15c: {  	v16 =	vadd.f32 v18, v16;
	(erf) = vrcp.f32 v15;
	v18 =	vmul.f32 v20, v3  }
0x15d: {  	v19 =	vmul.f32 $5.000000000e-01, v19;
	(erf) = vrcp.f32 v13;
	v20 =	vpop (erf)  }
0x15e: {  	v14 =	vmul.f32 $5.000000000e-01, v14;
	v16 =	vmul.f32 $5.000000000e-01, v16;
	v18 =	vadd.f32 v18, v23;
	v21 =	vpop (erf)  }
0x15f: {  	(erf) = vrcp.f32 v19;
	v21 =	vmul.f32 v21, v6  }
0x160: {  	(erf) = vrcp.f32 v16;
	v18 =	vmul.f32 $5.000000000e-01, v18  }
0x161: {  	v20 =	vmul.f32 v20, v7;
	(erf) = vrcp.f32 v14  }
0x162: {  	v23 =	vpop (erf);
	(erf) = vrcp.f32 v18  }
0x163: {  	v20 =	vadd.f32 v20, v24;
	v17 =	vadd.f32 v21, v17;
	v21 =	vpop (erf)  }
0x164: {  	v10 =	vmul.f32 v23, v10;
	v21 =	vmul.f32 v21, v2  }
0x165: {  	v20 =	vmul.f32 $5.000000000e-01, v20;
	v23 =	vpop (erf)  }
0x166: {  	v10 =	vadd.f32 v10, v25;
	v24 =	vpop (erf);
	v21 =	vadd.f32 v21, v22;
	v22 =	vmul.f32 v23, v5  }
0x167: {  	v17 =	vmul.f32 $5.000000000e-01, v17;
	v24 =	vmul.f32 v24, v8  }
0x168: {  	(erf) = vrcp.f32 v20;
	v10 =	vmul.f32 $5.000000000e-01, v10;
	v23 =	vpop (erf)  }
0x169: {  	(erf) = vrcp.f32 v17;
	v21 =	vmul.f32 $5.000000000e-01, v21;
	v25 =	vpop (erf)  }
0x16a: {  	(erf) = vrcp.f32 v10;
	v10 =	vadd.f32 v22, v15;
	v15 =	vmul.f32 v23, v9;
	v22 =	vpop (erf)  }
0x16b: {  	v13 =	vadd.f32 v24, v13;
	v23 =	vmul.f32 v25, v4;
	(erf) = vrcp.f32 v21;
	v24 =	vpop (erf)  }
0x16c: {  	v25 =	vmul.f32 $5.000000000e-01, v10;
	v10 =	vadd.f32 v15, v19;
	v15 =	vmul.f32 v24, v3  }
0x16d: {  	v13 =	vmul.f32 $5.000000000e-01, v13;
	v16 =	vadd.f32 v23, v16;
	v19 =	vmul.f32 v22, v11  }
0x16e: {  	(erf) = vrcp.f32 v25;
	v22 =	vmul.f32 $5.000000000e-01, v10;
	v10 =	vadd.f32 v15, v18  }
0x16f: {  	(erf) = vrcp.f32 v13  }
0x170: {  	v14 =	vadd.f32 v19, v14;
	v15 =	vmul.f32 $5.000000000e-01, v16;
	(erf) = vrcp.f32 v22  }
0x171: {  	v16 =	vmul.f32 $5.000000000e-01, v10  }
0x172: {  	v14 =	vmul.f32 $5.000000000e-01, v14;
	v10 =	vpop (erf);
	(erf) = vrcp.f32 v15  }
0x173: {  	v18 =	vpop (erf);
	v19 =	vmul.f32 v10, v7;
	(erf) = vrcp.f32 v16  }
0x174: {  	v18 =	vmul.f32 v18, v6;
	v10 =	vpop (erf)  }
0x175: {  	(erf) = vrcp.f32 v14;
	v19 =	vadd.f32 v19, v20;
	v20 =	vpop (erf)  }
0x176: {  	v17 =	vadd.f32 v18, v17;
	v18 =	vmul.f32 v20, v2  }
0x177: {  	v20 =	vpop (erf);
	v19 =	vmul.f32 $5.000000000e-01, v19  }
0x178: {  	v20 =	vmul.f32 v20, v5;
	v17 =	vmul.f32 $5.000000000e-01, v17;
	v18 =	vadd.f32 v18, v21;
	v21 =	vpop (erf)  }
0x179: {  	(erf) = vrcp.f32 v19;
	v21 =	vmul.f32 v21, v8;
	v23 =	vpop (erf)  }
0x17a: {  	v20 =	vadd.f32 v20, v25;
	(erf) = vrcp.f32 v17;
	v9 =	vmul.f32 v23, v9  }
0x17b: {  	v18 =	vmul.f32 $5.000000000e-01, v18;
	v23 =	vpop (erf);
	v13 =	vadd.f32 v21, v13  }
0x17c: {  	v20 =	vmul.f32 $5.000000000e-01, v20;
	v21 =	vmul.f32 v23, v4;
	v23 =	vpop (erf);
	v9 =	vadd.f32 v9, v22  }
0x17d: {  	(erf) = vrcp.f32 v18;
	v23 =	vmul.f32 v23, v3  }
0x17e: {  	v22 =	vpop (erf);
	v13 =	vmul.f32 $5.000000000e-01, v13;
	v9 =	vmul.f32 $5.000000000e-01, v9  }
0x17f: {  	(erf) = vrcp.f32 v20;
	v15 =	vadd.f32 v21, v15;
	v21 =	vmul.f32 v22, v11  }
0x180: {  	v16 =	vadd.f32 v23, v16  }
0x181: {  	(erf) = vrcp.f32 v13;
	v15 =	vmul.f32 $5.000000000e-01, v15;
	v14 =	vadd.f32 v21, v14  }
0x182: {  	(erf) = vrcp.f32 v9;
	v16 =	vmul.f32 $5.000000000e-01, v16;
	v9 =	vpop (erf)  }
0x183: {  	(erf) = vrcp.f32 v15;
	v14 =	vmul.f32 $5.000000000e-01, v14;
	v21 =	vpop (erf)  }
0x184: {  	(erf) = vrcp.f32 v16;
	v21 =	vmul.f32 v21, v6  }
0x185: {  	v9 =	vmul.f32 v9, v7  }
0x186: {  	(erf) = vrcp.f32 v14  }
0x187: {  	v9 =	vadd.f32 v9, v19;
	v19 =	vpop (erf)  }
0x188: {  	v17 =	vadd.f32 v21, v17;
	v19 =	vmul.f32 v19, v2;
	v21 =	vpop (erf)  }
0x189: {  	v22 =	vmul.f32 $5.000000000e-01, v9;
	v21 =	vmul.f32 v21, v5  }
0x18a: {  	v17 =	vmul.f32 $5.000000000e-01, v17;
	v18 =	vadd.f32 v19, v18;
	v23 =	vpop (erf)  }
0x18b: {  	(erf) = vrcp.f32 v22;
	v9 =	vpop (erf);
	v19 =	vmul.f32 v23, v8;
	v20 =	vadd.f32 v21, v20  }
0x18c: {  	(erf) = vrcp.f32 v17;
	v18 =	vmul.f32 $5.000000000e-01, v18;
	v23 =	vpop (erf)  }
0x18d: {  	v21 =	vmul.f32 v23, v4;
	v23 =	vpop (erf);
	v13 =	vadd.f32 v19, v13;
	v20 =	vmul.f32 $5.000000000e-01, v20  }
0x18e: {  	(erf) = vrcp.f32 v18;
	v23 =	vmul.f32 v23, v3  }
0x18f: {  	v19 =	vpop (erf);
	v15 =	vadd.f32 v21, v15;
	v13 =	vmul.f32 $5.000000000e-01, v13;
	(erf) = vrcp.f32 v20  }
0x190: {  	v19 =	vmul.f32 v19, v11;
	v16 =	vadd.f32 v23, v16  }
0x191: {  	v15 =	vmul.f32 $5.000000000e-01, v15;
	(erf) = vrcp.f32 v13  }
0x192: {  	v14 =	vadd.f32 v19, v14;
	v16 =	vmul.f32 $5.000000000e-01, v16  }
0x193: {  	(erf) = vrcp.f32 v15  }
0x194: {  	v14 =	vmul.f32 $5.000000000e-01, v14;
	(erf) = vrcp.f32 v16;
	v19 =	vpop (erf)  }
0x195: {  	v7 =	vmul.f32 v19, v7;
	v19 =	vpop (erf)  }
0x196: {  	(erf) = vrcp.f32 v14;
	v19 =	vmul.f32 v19, v6  }
0x197: {  	v21 =	vpop (erf);
	v7 =	vadd.f32 v7, v22  }
0x198: {  	v17 =	vadd.f32 v19, v17;
	v19 =	vmul.f32 v21, v2;
	v21 =	vpop (erf)  }
0x199: {  	v7 =	vmul.f32 $5.000000000e-01, v7;
	v21 =	vmul.f32 v21, v5  }
0x19a: {  	v17 =	vmul.f32 $5.000000000e-01, v17;
	v22 =	vpop (erf)  }
0x19b: {  	(erf) = vrcp.f32 v7;
	v7 =	vadd.f32 v19, v18;
	v18 =	vmul.f32 v22, v8  }
0x19c: {  	v19 =	vpop (erf);
	(erf) = vrcp.f32 v17;
	v20 =	vadd.f32 v21, v20  }
0x19d: {  	v19 =	vmul.f32 v19, v4;
	v22 =	vmul.f32 $5.000000000e-01, v7;
	v7 =	vadd.f32 v18, v13;
	v21 =	vpop (erf)  }
0x19e: {  	v20 =	vmul.f32 $5.000000000e-01, v20;
	v18 =	vmul.f32 v21, v3  }
0x19f: {  	v13 =	vpop (erf);
	v15 =	vadd.f32 v19, v15;
	(erf) = vrcp.f32 v22;
	v19 =	vmul.f32 $5.000000000e-01, v7  }
0x1a0: {  	v13 =	vmul.f32 v13, v11;
	(erf) = vrcp.f32 v20;
	v7 =	vadd.f32 v18, v16  }
0x1a1: {  	v15 =	vmul.f32 $5.000000000e-01, v15;
	(erf) = vrcp.f32 v19  }
0x1a2: {  	v13 =	vadd.f32 v13, v14;
	v14 =	vmul.f32 $5.000000000e-01, v7  }
0x1a3: {  	(erf) = vrcp.f32 v15  }
0x1a4: {  	v13 =	vmul.f32 $5.000000000e-01, v13;
	(erf) = vrcp.f32 v14;
	v7 =	vpop (erf)  }
0x1a5: {  	v16 =	vpop (erf)  }
0x1a6: {  	(erf) = vrcp.f32 v13;
	v16 =	vmul.f32 v16, v6;
	_ =	sdelay $0x1  }
0x1a7: {  	v18 =	vpop (erf);
	v16 =	vadd.f32 v16, v17  }
0x1a8: {  	v17 =	vmul.f32 v18, v2;
	v18 =	vpop (erf)  }
0x1a9: {  	v5 =	vmul.f32 v18, v5;
	v18 =	vpop (erf);
	v16 =	vmul.f32 $5.000000000e-01, v16  }
0x1aa: {  	v17 =	vadd.f32 v17, v22;
	v18 =	vmul.f32 v18, v8  }
0x1ab: {  	v21 =	vpop (erf);
	v5 =	vadd.f32 v5, v20;
	(erf) = vrcp.f32 v16  }
0x1ac: {  	v20 =	vmul.f32 v21, v4;
	v17 =	vmul.f32 $5.000000000e-01, v17;
	v18 =	vadd.f32 v18, v19;
	v21 =	vpop (erf)  }
0x1ad: {  	v5 =	vmul.f32 $5.000000000e-01, v5;
	v19 =	vmul.f32 v21, v3  }
0x1ae: {  	v21 =	vpop (erf);
	(erf) = vrcp.f32 v17;
	v18 =	vmul.f32 $5.000000000e-01, v18  }
0x1af: {  	v15 =	vadd.f32 v20, v15;
	v20 =	vmul.f32 v21, v11;
	(erf) = vrcp.f32 v5  }
0x1b0: {  	v14 =	vadd.f32 v19, v14;
	(erf) = vrcp.f32 v18  }
0x1b1: {  	v15 =	vmul.f32 $5.000000000e-01, v15;
	v5 =	vadd.f32 v20, v13  }
0x1b2: {  	v13 =	vmul.f32 $5.000000000e-01, v14  }
0x1b3: {  	(erf) = vrcp.f32 v15;
	v14 =	vmul.f32 $5.000000000e-01, v5  }
0x1b4: {  	(erf) = vrcp.f32 v13  }
0x1b5: {  	(erf) = vrcp.f32 v14  }
0x1b6: {  	v5 =	vpop (erf)  }
0x1b7: {  	v19 =	vpop (erf)  }
0x1b8: {  	v20 =	vmul.f32 v5, v6;
	v5 =	vpop (erf)  }
0x1b9: {  	v21 =	vpop (erf)  }
0x1ba: {  	v16 =	vadd.f32 v20, v16;
	v20 =	vmul.f32 v21, v8  }
0x1bb: {  	v19 =	vmul.f32 v19, v2  }
0x1bc: {  	v21 =	vpop (erf)  }
0x1bd: {  	v17 =	vadd.f32 v19, v17;
	v19 =	vmul.f32 v21, v4;
	v21 =	vpop (erf)  }
0x1be: {  	v16 =	vmul.f32 $5.000000000e-01, v16;
	v18 =	vadd.f32 v20, v18;
	v3 =	vmul.f32 v21, v3;
	v20 =	vpop (erf)  }
0x1bf: {  	v17 =	vmul.f32 $5.000000000e-01, v17;
	v15 =	vadd.f32 v19, v15;
	v19 =	vmul.f32 v20, v11  }
0x1c0: {  	(erf) = vrcp.f32 v16;
	v18 =	vmul.f32 $5.000000000e-01, v18;
	v3 =	vadd.f32 v3, v13  }
0x1c1: {  	(erf) = vrcp.f32 v17;
	v13 =	vmul.f32 $5.000000000e-01, v15;
	v14 =	vadd.f32 v19, v14  }
0x1c2: {  	(erf) = vrcp.f32 v18;
	v3 =	vmul.f32 $5.000000000e-01, v3  }
0x1c3: {  	(erf) = vrcp.f32 v13;
	v14 =	vmul.f32 $5.000000000e-01, v14  }
0x1c4: {  	(erf) = vrcp.f32 v3  }
0x1c5: {  	(erf) = vrcp.f32 v14;
	_ =	sdelay $0x3  }
0x1c6: {  	v3 =	vpop (erf)  }
0x1c7: {  	v15 =	vpop (erf);
	v3 =	vmul.f32 v3, v6  }
0x1c8: {  	v19 =	vpop (erf)  }
0x1c9: {  	v15 =	vmul.f32 v15, v2;
	v3 =	vadd.f32 v3, v16;
	v20 =	vpop (erf)  }
0x1ca: {  	v16 =	vmul.f32 v19, v8;
	v19 =	vpop (erf)  }
0x1cb: {  	v15 =	vadd.f32 v15, v17;
	v3 =	vmul.f32 $5.000000000e-01, v3;
	v17 =	vmul.f32 v20, v4;
	v20 =	vpop (erf)  }
0x1cc: {  	v16 =	vadd.f32 v16, v18;
	v18 =	vmul.f32 v20, v11  }
0x1cd: {  	v15 =	vmul.f32 $5.000000000e-01, v15;
	(erf) = vrcp.f32 v3;
	v13 =	vadd.f32 v17, v13  }
0x1ce: {  	v16 =	vmul.f32 $5.000000000e-01, v16;
	v14 =	vadd.f32 v18, v14  }
0x1cf: {  	(erf) = vrcp.f32 v15;
	v13 =	vmul.f32 $5.000000000e-01, v13  }
0x1d0: {  	(erf) = vrcp.f32 v16;
	v14 =	vmul.f32 $5.000000000e-01, v14  }
0x1d1: {  	(erf) = vrcp.f32 v13  }
0x1d2: {  	(erf) = vrcp.f32 v14;
	_ =	sdelay $0x3  }
0x1d3: {  	v17 =	vpop (erf)  }
0x1d4: {  	v17 =	vmul.f32 v17, v6  }
0x1d5: {  	v18 =	vpop (erf)  }
0x1d6: {  	v2 =	vmul.f32 v18, v2;
	v18 =	vpop (erf);
	v3 =	vadd.f32 v17, v3  }
0x1d7: {  	v17 =	vmul.f32 v18, v8;
	v18 =	vpop (erf)  }
0x1d8: {  	v2 =	vadd.f32 v2, v15;
	v3 =	vmul.f32 $5.000000000e-01, v3;
	v15 =	vmul.f32 v18, v4;
	v18 =	vpop (erf)  }
0x1d9: {  	v16 =	vadd.f32 v17, v16;
	v17 =	vmul.f32 v18, v11  }
0x1da: {  	v2 =	vmul.f32 $5.000000000e-01, v2;
	(erf) = vrcp.f32 v3;
	v13 =	vadd.f32 v15, v13  }
0x1db: {  	v15 =	vmul.f32 $5.000000000e-01, v16;
	v14 =	vadd.f32 v17, v14  }
0x1dc: {  	(erf) = vrcp.f32 v2;
	v2 =	vmul.f32 $5.000000000e-01, v13  }
0x1dd: {  	(erf) = vrcp.f32 v15;
	v13 =	vmul.f32 $5.000000000e-01, v14  }
0x1de: {  	(erf) = vrcp.f32 v2  }
0x1df: {  	(erf) = vrcp.f32 v13;
	_ =	sdelay $0x3  }
0x1e0: {  	v14 =	vpop (erf)  }
0x1e1: {  	v14 =	vmul.f32 v14, v6  }
0x1e2: {  	v16 =	vpop (erf)  }
0x1e3: {  	v17 =	vpop (erf)  }
0x1e4: {  	v17 =	vmul.f32 v17, v8;
	v18 =	vpop (erf)  }
0x1e5: {  	v3 =	vadd.f32 v14, v3;
	v4 =	vmul.f32 v18, v4;
	v14 =	vpop (erf)  }
0x1e6: {  	v15 =	vadd.f32 v17, v15;
	v14 =	vmul.f32 v14, v11  }
0x1e7: {  	v3 =	vmul.f32 $5.000000000e-01, v3;
	v2 =	vadd.f32 v4, v2  }
0x1e8: {  	v4 =	vmul.f32 $5.000000000e-01, v15;
	v13 =	vadd.f32 v14, v13  }
0x1e9: {  	(erf) = vrcp.f32 v3;
	v2 =	vmul.f32 $5.000000000e-01, v2  }
0x1ea: {  	(erf) = vrcp.f32 v4;
	v13 =	vmul.f32 $5.000000000e-01, v13  }
0x1eb: {  	(erf) = vrcp.f32 v2  }
0x1ec: {  	(erf) = vrcp.f32 v13;
	_ =	sdelay $0x5  }
0x1ed: {  	v2 =	vpop (erf)  }
0x1ee: {  	v14 =	vpop (erf)  }
0x1ef: {  	v2 =	vmul.f32 v2, v6;
	v15 =	vpop (erf)  }
0x1f0: {  	v14 =	vmul.f32 v14, v8;
	v17 =	vpop (erf)  }
0x1f1: {  	v2 =	vadd.f32 v2, v3;
	v3 =	vmul.f32 v17, v11  }
0x1f2: {  	v4 =	vadd.f32 v14, v4  }
0x1f3: {  	v2 =	vmul.f32 $5.000000000e-01, v2;
	v3 =	vadd.f32 v3, v13  }
0x1f4: {  	v4 =	vmul.f32 $5.000000000e-01, v4  }
0x1f5: {  	(erf) = vrcp.f32 v2;
	v3 =	vmul.f32 $5.000000000e-01, v3  }
0x1f6: {  	(erf) = vrcp.f32 v4  }
0x1f7: {  	(erf) = vrcp.f32 v3;
	_ =	sdelay $0x6  }
0x1f8: {  	v13 =	vpop (erf)  }
0x1f9: {  	v6 =	vmul.f32 v13, v6;
	v13 =	vpop (erf)  }
0x1fa: {  	v13 =	vmul.f32 v13, v8;
	v14 =	vpop (erf)  }
0x1fb: {  	v2 =	vadd.f32 v6, v2;
	v6 =	vmul.f32 v14, v11  }
0x1fc: {  	v4 =	vadd.f32 v13, v4  }
0x1fd: {  	v2 =	vmul.f32 $5.000000000e-01, v2;
	v3 =	vadd.f32 v6, v3  }
0x1fe: {  	v4 =	vmul.f32 $5.000000000e-01, v4  }
0x1ff: {  	(erf) = vrcp.f32 v2;
	v2 =	vmul.f32 $5.000000000e-01, v3  }
0x200: {  	(erf) = vrcp.f32 v4  }
0x201: {  	(erf) = vrcp.f32 v2;
	_ =	sdelay $0x6  }
0x202: {  	v3 =	vpop (erf)  }
0x203: {  	v6 =	vpop (erf)  }
0x204: {  	v6 =	vmul.f32 v6, v8;
	v8 =	vpop (erf)  }
0x205: {  	v8 =	vmul.f32 v8, v11  }
0x206: {  	v4 =	vadd.f32 v6, v4  }
0x207: {  	v2 =	vadd.f32 v8, v2  }
0x208: {  	v4 =	vmul.f32 $5.000000000e-01, v4  }
0x209: {  	v2 =	vmul.f32 $5.000000000e-01, v2  }
0x20a: {  	(erf) = vrcp.f32 v4  }
0x20b: {  	(erf) = vrcp.f32 v2;
	_ =	sdelay $0x7  }
0x20c: {  	v4 =	vpop (erf)  }
0x20d: {  	v6 =	vpop (erf)  }
0x20e: {  	v6 =	vmul.f32 v6, v11;
	_ =	sdelay $0x1  }
0x20f: {  	v2 =	vadd.f32 v6, v2;
	_ =	sdelay $0x1  }
0x210: {  	v2 =	vmul.f32 $5.000000000e-01, v2;
	_ =	sdelay $0x1  }
0x211: {  	[tilespmem:s26+$0x5380] =	vst v12;
	(erf) = vrcp.f32 v2  }
0x212: {  	[tilespmem:s28+$0x5380] =	vst v10  }
0x213: {  	[tilespmem:s29+$0x5380] =	vst v9  }
0x214: {  	[tilespmem:s30+$0x5380] =	vst v7  }
0x215: {  	[tilespmem:s31+$0x5380] =	vst v5  }
0x216: {  	[tilespmem:s1+$0x5380] =	vst v19  }
0x217: {  	[tilespmem:s2+$0x5380] =	vst v16  }
0x218: {  	[tilespmem:s16+$0x5380] =	vst v15  }
0x219: {  	[tilespmem:s22+$0x5380] =	vst v3  }
0x21a: {  	[tilespmem:s23+$0x5380] =	vst v4;
	v2 =	vpop (erf)  }
0x21b: {  	s26 =	simm.s32 $0x5380;
	[tilespmem:s24+$0x5380] =	vst v2  }
0x21c: {  	[spmem:s8] =	stream.linear.scatter [tilespmem:s26], [sflag:$0x1], $0x280, $0x38;
	[tilespmem:$0x6200] =	vst v63  }
0x21d: {  	_ =	swait.ge [sflag:s15], $0x280  }
0x21e: {  	[sflag:s15] =	ssyncset.done $0x0  }
0x21f: {  	[sflag:s15] =	ssyncadd.s32 $0xFFFFFD80  }
0x220: {  	[tilespmem:s17], [sflag:$0x1] =	stream.linear.gather [spmem:s9], $0x280, $0x38;
	[tilespmem:$0x6200] =	vst v63  }
0x221: {  	_ =	swait.ge [sflag:s15], $0x280  }
0x222: {  	[sflag:s15] =	ssyncset.done $0x0  }
0x223: {  	s26 =	simm.s32 $0x0;
	[sflag:s15] =	ssyncadd.s32 $0xFFFFFD80  }
0x224: {  	v2 =	vld [tilespmem:s26+$0x5100];
	_ =	sdelay $0x4  }
0x225: {  	v12 =	vmax.f32 v2, $1.000000000e+00  }
0x226: {  	(erf) = vrcp.f32 v12;
	_ =	sdelay $0x7  }
0x227: {  	s28 =	simm.s32 $0x10  }
0x228: {  	v3 =	vld [tilespmem:s28+$0x5100];
	v2 =	vpop (erf)  }
0x229: {  	v2 =	vmul.f32 v2, v12;
	_ =	sdelay $0x1  }
0x22a: {  	v2 =	vadd.f32 v2, v12;
	_ =	sdelay $0x1  }
0x22b: {  	v10 =	vmax.f32 v3, $1.000000000e+00;
	v2 =	vmul.f32 $5.000000000e-01, v2  }
0x22c: {  	(erf) = vrcp.f32 v10  }
0x22d: {  	(erf) = vrcp.f32 v2;
	_ =	sdelay $0x7  }
0x22e: {  	s29 =	simm.s32 $0x20;
	v3 =	vpop (erf)  }
0x22f: {  	v4 =	vld [tilespmem:s29+$0x5100];
	v5 =	vpop (erf)  }
0x230: {  	v5 =	vmul.f32 v5, v12;
	_ =	sdelay $0x1  }
0x231: {  	v2 =	vadd.f32 v5, v2;
	_ =	sdelay $0x1  }
0x232: {  	v9 =	vmax.f32 v4, $1.000000000e+00;
	v2 =	vmul.f32 $5.000000000e-01, v2  }
0x233: {  	(erf) = vrcp.f32 v9  }
0x234: {  	(erf) = vrcp.f32 v2  }
0x235: {  	v3 =	vmul.f32 v3, v10;
	_ =	sdelay $0x1  }
0x236: {  	v3 =	vadd.f32 v3, v10;
	_ =	sdelay $0x1  }
0x237: {  	v3 =	vmul.f32 $5.000000000e-01, v3;
	_ =	sdelay $0x1  }
0x238: {  	(erf) = vrcp.f32 v3  }
0x239: {  	v4 =	vpop (erf)  }
0x23a: {  	v5 =	vpop (erf)  }
0x23b: {  	v5 =	vmul.f32 v5, v12;
	_ =	sdelay $0x1  }
0x23c: {  	v2 =	vadd.f32 v5, v2;
	_ =	sdelay $0x1  }
0x23d: {  	v2 =	vmul.f32 $5.000000000e-01, v2  }
0x23e: {  	s30 =	simm.s32 $0x30  }
0x23f: {  	v6 =	vpop (erf);
	v5 =	vld [tilespmem:s30+$0x5100];
	(erf) = vrcp.f32 v2  }
0x240: {  	v6 =	vmul.f32 v6, v10;
	_ =	sdelay $0x1  }
0x241: {  	v3 =	vadd.f32 v6, v3;
	_ =	sdelay $0x1  }
0x242: {  	v3 =	vmul.f32 $5.000000000e-01, v3;
	v7 =	vmax.f32 v5, $1.000000000e+00  }
0x243: {  	(erf) = vrcp.f32 v7  }
0x244: {  	(erf) = vrcp.f32 v3  }
0x245: {  	v4 =	vmul.f32 v4, v9  }
0x246: {  	v5 =	vpop (erf)  }
0x247: {  	v4 =	vadd.f32 v4, v9;
	v5 =	vmul.f32 v5, v12;
	_ =	sdelay $0x1  }
0x248: {  	v4 =	vmul.f32 $5.000000000e-01, v4;
	v2 =	vadd.f32 v5, v2;
	_ =	sdelay $0x1  }
0x249: {  	(erf) = vrcp.f32 v4;
	v2 =	vmul.f32 $5.000000000e-01, v2  }
0x24a: {  	v6 =	vpop (erf)  }
0x24b: {  	v5 =	vpop (erf);
	(erf) = vrcp.f32 v2  }
0x24c: {  	v5 =	vmul.f32 v5, v10;
	_ =	sdelay $0x1  }
0x24d: {  	v3 =	vadd.f32 v5, v3;
	_ =	sdelay $0x1  }
0x24e: {  	v3 =	vmul.f32 $5.000000000e-01, v3  }
0x24f: {  	s31 =	simm.s32 $0x40  }
0x250: {  	v8 =	vpop (erf);
	v5 =	vld [tilespmem:s31+$0x5100];
	(erf) = vrcp.f32 v3  }
0x251: {  	v8 =	vmul.f32 v8, v9  }
0x252: {  	v11 =	vpop (erf)  }
0x253: {  	v4 =	vadd.f32 v8, v4;
	v8 =	vmul.f32 v11, v12  }
0x254: {  	v6 =	vmul.f32 v6, v7  }
0x255: {  	v4 =	vmul.f32 $5.000000000e-01, v4;
	v5 =	vmax.f32 v5, $1.000000000e+00;
	v2 =	vadd.f32 v8, v2  }
0x256: {  	(erf) = vrcp.f32 v5  }
0x257: {  	v6 =	vadd.f32 v6, v7;
	(erf) = vrcp.f32 v4;
	v2 =	vmul.f32 $5.000000000e-01, v2;
	_ =	sdelay $0x1  }
0x258: {  	v6 =	vmul.f32 $5.000000000e-01, v6;
	v8 =	vpop (erf);
	(erf) = vrcp.f32 v2  }
0x259: {  	v8 =	vmul.f32 v8, v10  }
0x25a: {  	(erf) = vrcp.f32 v6  }
0x25b: {  	v3 =	vadd.f32 v8, v3;
	_ =	sdelay $0x1  }
0x25c: {  	v8 =	vmul.f32 $5.000000000e-01, v3  }
0x25d: {  	v11 =	vpop (erf)  }
0x25e: {  	s1 =	simm.s32 $0x50;
	v3 =	vpop (erf);
	(erf) = vrcp.f32 v8  }
0x25f: {  	v13 =	vld [tilespmem:s1+$0x5100];
	v3 =	vmul.f32 v3, v9  }
0x260: {  	v14 =	vpop (erf)  }
0x261: {  	v3 =	vadd.f32 v3, v4;
	v4 =	vmul.f32 v14, v12  }
0x262: {  	v14 =	vpop (erf)  }
0x263: {  	v15 =	vmul.f32 $5.000000000e-01, v3;
	v2 =	vadd.f32 v4, v2;
	v4 =	vmul.f32 v14, v7  }
0x264: {  	v3 =	vmax.f32 v13, $1.000000000e+00  }
0x265: {  	(erf) = vrcp.f32 v15;
	v2 =	vmul.f32 $5.000000000e-01, v2;
	v4 =	vadd.f32 v4, v6  }
0x266: {  	(erf) = vrcp.f32 v3  }
0x267: {  	v6 =	vpop (erf);
	(erf) = vrcp.f32 v2;
	v4 =	vmul.f32 $5.000000000e-01, v4  }
0x268: {  	v6 =	vmul.f32 v6, v10  }
0x269: {  	(erf) = vrcp.f32 v4  }
0x26a: {  	v6 =	vadd.f32 v6, v8;
	_ =	sdelay $0x1  }
0x26b: {  	v6 =	vmul.f32 $5.000000000e-01, v6  }
0x26c: {  	v8 =	vmul.f32 v11, v5  }
0x26d: {  	v11 =	vpop (erf);
	(erf) = vrcp.f32 v6  }
0x26e: {  	v8 =	vadd.f32 v8, v5;
	v13 =	vpop (erf)  }
0x26f: {  	v11 =	vmul.f32 v11, v9;
	v14 =	vpop (erf)  }
0x270: {  	v8 =	vmul.f32 $5.000000000e-01, v8;
	v14 =	vmul.f32 v14, v12  }
0x271: {  	v11 =	vadd.f32 v11, v15;
	v15 =	vpop (erf)  }
0x272: {  	(erf) = vrcp.f32 v8;
	v2 =	vadd.f32 v14, v2;
	v14 =	vmul.f32 v15, v7;
	_ =	sdelay $0x1  }
0x273: {  	v11 =	vmul.f32 $5.000000000e-01, v11  }
0x274: {  	s2 =	simm.s32 $0x60;
	v15 =	vmul.f32 $5.000000000e-01, v2;
	v2 =	vadd.f32 v14, v4  }
0x275: {  	(erf) = vrcp.f32 v11;
	v4 =	vld [tilespmem:s2+$0x5100];
	v14 =	vpop (erf)  }
0x276: {  	v16 =	vmul.f32 $5.000000000e-01, v2;
	v2 =	vmul.f32 v14, v10;
	_ =	sdelay $0x1  }
0x277: {  	(erf) = vrcp.f32 v15;
	v6 =	vadd.f32 v2, v6  }
0x278: {  	(erf) = vrcp.f32 v16  }
0x279: {  	v14 =	vpop (erf);
	v2 =	vmax.f32 v4, $1.000000000e+00;
	v6 =	vmul.f32 $5.000000000e-01, v6  }
0x27a: {  	v4 =	vmul.f32 v14, v5;
	(erf) = vrcp.f32 v2  }
0x27b: {  	(erf) = vrcp.f32 v6  }
0x27c: {  	v4 =	vadd.f32 v4, v8  }
0x27d: {  	v14 =	vpop (erf)  }
0x27e: {  	v8 =	vmul.f32 v14, v9;
	v4 =	vmul.f32 $5.000000000e-01, v4;
	_ =	sdelay $0x1  }
0x27f: {  	v13 =	vmul.f32 v13, v3;
	v8 =	vadd.f32 v8, v11;
	v14 =	vpop (erf);
	(erf) = vrcp.f32 v4  }
0x280: {  	v11 =	vmul.f32 v14, v12;
	v14 =	vpop (erf)  }
0x281: {  	v13 =	vadd.f32 v13, v3;
	v8 =	vmul.f32 $5.000000000e-01, v8;
	v14 =	vmul.f32 v14, v7  }
0x282: {  	v11 =	vadd.f32 v11, v15;
	v15 =	vpop (erf)  }
0x283: {  	v13 =	vmul.f32 $5.000000000e-01, v13;
	(erf) = vrcp.f32 v8;
	v14 =	vadd.f32 v14, v16;
	v16 =	vpop (erf)  }
0x284: {  	v11 =	vmul.f32 $5.000000000e-01, v11;
	v16 =	vmul.f32 v16, v10  }
0x285: {  	(erf) = vrcp.f32 v13  }
0x286: {  	(erf) = vrcp.f32 v11;
	_ =	sdelay $0x1  }
0x287: {  	v6 =	vadd.f32 v16, v6;
	v16 =	vpop (erf)  }
0x288: {  	v14 =	vmul.f32 $5.000000000e-01, v14;
	v16 =	vmul.f32 v16, v5;
	_ =	sdelay $0x1  }
0x289: {  	(erf) = vrcp.f32 v14;
	v6 =	vmul.f32 $5.000000000e-01, v6;
	v4 =	vadd.f32 v16, v4;
	_ =	sdelay $0x1  }
0x28a: {  	(erf) = vrcp.f32 v6;
	v16 =	vpop (erf)  }
0x28b: {  	s16 =	simm.s32 $0x70;
	v18 =	vpop (erf);
	v16 =	vmul.f32 v16, v9  }
0x28c: {  	v17 =	vld [tilespmem:s16+$0x5100];
	v19 =	vmul.f32 $5.000000000e-01, v4;
	v4 =	vpop (erf)  }
0x28d: {  	v8 =	vadd.f32 v16, v8;
	v16 =	vmul.f32 v4, v12;
	_ =	sdelay $0x1  }
0x28e: {  	(erf) = vrcp.f32 v19  }
0x28f: {  	v18 =	vmul.f32 v18, v3  }
0x290: {  	v4 =	vmax.f32 v17, $1.000000000e+00;
	v8 =	vmul.f32 $5.000000000e-01, v8;
	v11 =	vadd.f32 v16, v11;
	v16 =	vpop (erf)  }
0x291: {  	(erf) = vrcp.f32 v4;
	v13 =	vadd.f32 v18, v13;
	v16 =	vmul.f32 v16, v7  }
0x292: {  	(erf) = vrcp.f32 v8;
	v11 =	vmul.f32 $5.000000000e-01, v11;
	v17 =	vpop (erf)  }
0x293: {  	v13 =	vmul.f32 $5.000000000e-01, v13;
	v14 =	vadd.f32 v16, v14;
	v16 =	vmul.f32 v17, v10  }
0x294: {  	(erf) = vrcp.f32 v11  }
0x295: {  	v15 =	vmul.f32 v15, v2;
	(erf) = vrcp.f32 v13  }
0x296: {  	v6 =	vadd.f32 v16, v6  }
0x297: {  	v15 =	vadd.f32 v15, v2;
	v14 =	vmul.f32 $5.000000000e-01, v14;
	v16 =	vpop (erf)  }
0x298: {  	v17 =	vmul.f32 $5.000000000e-01, v6;
	v6 =	vmul.f32 v16, v5  }
0x299: {  	v15 =	vmul.f32 $5.000000000e-01, v15  }
0x29a: {  	(erf) = vrcp.f32 v14;
	v16 =	vpop (erf);
	v6 =	vadd.f32 v6, v19  }
0x29b: {  	(erf) = vrcp.f32 v15;
	v18 =	vpop (erf)  }
0x29c: {  	(erf) = vrcp.f32 v17;
	v18 =	vmul.f32 v18, v9  }
0x29d: {  	v19 =	vpop (erf);
	v20 =	vmul.f32 $5.000000000e-01, v6  }
0x29e: {  	v8 =	vadd.f32 v18, v8;
	v18 =	vmul.f32 v19, v12;
	v6 =	vpop (erf)  }
0x29f: {  	(erf) = vrcp.f32 v20;
	v6 =	vmul.f32 v6, v3  }
0x2a0: {  	v11 =	vadd.f32 v18, v11  }
0x2a1: {  	v8 =	vmul.f32 $5.000000000e-01, v8;
	v6 =	vadd.f32 v6, v13  }
0x2a2: {  	s22 =	simm.s32 $0x80;
	v11 =	vmul.f32 $5.000000000e-01, v11  }
0x2a3: {  	v18 =	vpop (erf);
	(erf) = vrcp.f32 v8;
	v13 =	vld [tilespmem:s22+$0x5100];
	v21 =	vmul.f32 $5.000000000e-01, v6  }
0x2a4: {  	v19 =	vpop (erf);
	(erf) = vrcp.f32 v11;
	v6 =	vmul.f32 v18, v7  }
0x2a5: {  	v18 =	vpop (erf);
	(erf) = vrcp.f32 v21  }
0x2a6: {  	v18 =	vmul.f32 v18, v10;
	v14 =	vadd.f32 v6, v14  }
0x2a7: {  	v19 =	vmul.f32 v19, v2  }
0x2a8: {  	v6 =	vmax.f32 v13, $1.000000000e+00;
	v13 =	vmul.f32 $5.000000000e-01, v14;
	v14 =	vadd.f32 v18, v17;
	v17 =	vpop (erf)  }
0x2a9: {  	v15 =	vadd.f32 v19, v15;
	(erf) = vrcp.f32 v6;
	v17 =	vmul.f32 v17, v5  }
0x2aa: {  	(erf) = vrcp.f32 v13;
	v14 =	vmul.f32 $5.000000000e-01, v14  }
0x2ab: {  	v15 =	vmul.f32 $5.000000000e-01, v15  }
0x2ac: {  	v16 =	vmul.f32 v16, v4;
	v18 =	vpop (erf);
	v17 =	vadd.f32 v17, v20;
	(erf) = vrcp.f32 v14  }
0x2ad: {  	v18 =	vmul.f32 v18, v9;
	v19 =	vpop (erf);
	(erf) = vrcp.f32 v15  }
0x2ae: {  	v16 =	vadd.f32 v16, v4;
	v17 =	vmul.f32 $5.000000000e-01, v17;
	v20 =	vpop (erf)  }
0x2af: {  	v8 =	vadd.f32 v18, v8;
	v18 =	vmul.f32 v19, v12;
	v19 =	vmul.f32 v20, v3  }
0x2b0: {  	v16 =	vmul.f32 $5.000000000e-01, v16  }
0x2b1: {  	(erf) = vrcp.f32 v17;
	v20 =	vmul.f32 $5.000000000e-01, v8  }
0x2b2: {  	v8 =	vadd.f32 v18, v11;
	(erf) = vrcp.f32 v16;
	v11 =	vpop (erf)  }
0x2b3: {  	v18 =	vadd.f32 v19, v21;
	v19 =	vpop (erf);
	(erf) = vrcp.f32 v20  }
0x2b4: {  	v21 =	vmul.f32 $5.000000000e-01, v8;
	v8 =	vmul.f32 v19, v7  }
0x2b5: {  	v18 =	vmul.f32 $5.000000000e-01, v18;
	v19 =	vpop (erf)  }
0x2b6: {  	(erf) = vrcp.f32 v21;
	v22 =	vpop (erf);
	v8 =	vadd.f32 v8, v13;
	v13 =	vmul.f32 v19, v10  }
0x2b7: {  	(erf) = vrcp.f32 v18;
	v19 =	vmul.f32 v22, v2  }
0x2b8: {  	s23 =	simm.s32 $0x90;
	v22 =	vmul.f32 $5.000000000e-01, v8;
	v8 =	vadd.f32 v13, v14  }
0x2b9: {  	v13 =	vld [tilespmem:s23+$0x5100];
	v14 =	vadd.f32 v19, v15  }
0x2ba: {  	v15 =	vpop (erf);
	(erf) = vrcp.f32 v22;
	v19 =	vmul.f32 $5.000000000e-01, v8  }
0x2bb: {  	v23 =	vpop (erf);
	v14 =	vmul.f32 $5.000000000e-01, v14;
	v8 =	vmul.f32 v15, v5  }
0x2bc: {  	v15 =	vpop (erf);
	(erf) = vrcp.f32 v19  }
0x2bd: {  	v17 =	vadd.f32 v8, v17;
	(erf) = vrcp.f32 v14;
	v15 =	vmul.f32 v15, v9  }
0x2be: {  	v8 =	vmax.f32 v13, $1.000000000e+00;
	v13 =	vmul.f32 v23, v4  }
0x2bf: {  	v23 =	vpop (erf);
	v17 =	vmul.f32 $5.000000000e-01, v17;
	v15 =	vadd.f32 v15, v20  }
0x2c0: {  	v24 =	vpop (erf);
	(erf) = vrcp.f32 v8;
	v20 =	vmul.f32 v23, v12;
	v13 =	vadd.f32 v13, v16  }
0x2c1: {  	v16 =	vmul.f32 v24, v3;
	v15 =	vmul.f32 $5.000000000e-01, v15  }
0x2c2: {  	(erf) = vrcp.f32 v17;
	v20 =	vadd.f32 v20, v21;
	v13 =	vmul.f32 $5.000000000e-01, v13  }
0x2c3: {  	v11 =	vmul.f32 v11, v6;
	v16 =	vadd.f32 v16, v18;
	(erf) = vrcp.f32 v15  }
0x2c4: {  	v21 =	vpop (erf);
	v20 =	vmul.f32 $5.000000000e-01, v20;
	(erf) = vrcp.f32 v13  }
0x2c5: {  	v11 =	vadd.f32 v11, v6;
	v16 =	vmul.f32 $5.000000000e-01, v16;
	v18 =	vmul.f32 v21, v7;
	v21 =	vpop (erf)  }
0x2c6: {  	(erf) = vrcp.f32 v20;
	v23 =	vpop (erf);
	v21 =	vmul.f32 v21, v10  }
0x2c7: {  	v18 =	vadd.f32 v18, v22;
	v22 =	vmul.f32 $5.000000000e-01, v11;
	v11 =	vmul.f32 v23, v2  }
0x2c8: {  	v19 =	vadd.f32 v21, v19  }
0x2c9: {  	(erf) = vrcp.f32 v16;
	v18 =	vmul.f32 $5.000000000e-01, v18;
	v11 =	vadd.f32 v11, v14  }
0x2ca: {  	(erf) = vrcp.f32 v22;
	v21 =	vpop (erf);
	v19 =	vmul.f32 $5.000000000e-01, v19  }
0x2cb: {  	(erf) = vrcp.f32 v18;
	v14 =	vpop (erf);
	v23 =	vmul.f32 $5.000000000e-01, v11  }
0x2cc: {  	v11 =	vmul.f32 v14, v5;
	v14 =	vpop (erf);
	(erf) = vrcp.f32 v19  }
0x2cd: {  	v24 =	vpop (erf);
	(erf) = vrcp.f32 v23  }
0x2ce: {  	v14 =	vmul.f32 v14, v9;
	v11 =	vadd.f32 v11, v17;
	v17 =	vmul.f32 v24, v4  }
0x2cf: {  	v24 =	vpop (erf)  }
0x2d0: {  	s24 =	simm.s32 $0xA0;
	v25 =	vmul.f32 $5.000000000e-01, v11;
	v11 =	vadd.f32 v14, v15;
	v14 =	vmul.f32 v24, v12  }
0x2d1: {  	v15 =	vld [tilespmem:s24+$0x5100];
	v13 =	vadd.f32 v17, v13  }
0x2d2: {  	v17 =	vpop (erf);
	(erf) = vrcp.f32 v25;
	v24 =	vmul.f32 $5.000000000e-01, v11  }
0x2d3: {  	v11 =	vadd.f32 v14, v20;
	v26 =	vmul.f32 $5.000000000e-01, v13;
	v13 =	vmul.f32 v17, v3  }
0x2d4: {  	v14 =	vpop (erf);
	(erf) = vrcp.f32 v24  }
0x2d5: {  	v27 =	vmul.f32 $5.000000000e-01, v11;
	v17 =	vpop (erf);
	(erf) = vrcp.f32 v26;
	v13 =	vadd.f32 v13, v16  }
0x2d6: {  	v11 =	vmax.f32 v15, $1.000000000e+00;
	v14 =	vmul.f32 v14, v6;
	v16 =	vmul.f32 v17, v7;
	v15 =	vpop (erf)  }
0x2d7: {  	(erf) = vrcp.f32 v27;
	v17 =	vpop (erf);
	v28 =	vmul.f32 $5.000000000e-01, v13  }
0x2d8: {  	v14 =	vadd.f32 v14, v22;
	v13 =	vadd.f32 v16, v18;
	v18 =	vmul.f32 v17, v2  }
0x2d9: {  	(erf) = vrcp.f32 v11;
	v16 =	vmul.f32 v15, v10  }
0x2da: {  	v17 =	vmul.f32 $5.000000000e-01, v14;
	v15 =	vmul.f32 $5.000000000e-01, v13;
	v14 =	vadd.f32 v18, v23  }
0x2db: {  	(erf) = vrcp.f32 v28;
	v13 =	vadd.f32 v16, v19  }
0x2dc: {  	v16 =	vmul.f32 v21, v8;
	(erf) = vrcp.f32 v15  }
0x2dd: {  	v18 =	vpop (erf);
	v19 =	vmul.f32 $5.000000000e-01, v13;
	(erf) = vrcp.f32 v17  }
0x2de: {  	v13 =	vadd.f32 v16, v8;
	v16 =	vmul.f32 v18, v5;
	v18 =	vmul.f32 $5.000000000e-01, v14;
	v14 =	vpop (erf)  }
0x2df: {  	(erf) = vrcp.f32 v19;
	v14 =	vmul.f32 v14, v9  }
0x2e0: {  	v13 =	vmul.f32 $5.000000000e-01, v13;
	v20 =	vpop (erf);
	v16 =	vadd.f32 v16, v25  }
0x2e1: {  	(erf) = vrcp.f32 v18;
	v21 =	vmul.f32 v20, v4;
	v22 =	vpop (erf)  }
0x2e2: {  	v20 =	vmul.f32 $5.000000000e-01, v16;
	v16 =	vadd.f32 v14, v24;
	v12 =	vmul.f32 v22, v12  }
0x2e3: {  	(erf) = vrcp.f32 v13;
	v22 =	vadd.f32 v21, v26;
	v14 =	vpop (erf)  }
0x2e4: {  	(erf) = vrcp.f32 v20;
	v21 =	vmul.f32 $5.000000000e-01, v16;
	v12 =	vadd.f32 v12, v27;
	v23 =	vpop (erf)  }
0x2e5: {  	v16 =	vmul.f32 $5.000000000e-01, v22;
	v22 =	vmul.f32 v23, v3  }
0x2e6: {  	v25 =	vpop (erf);
	(erf) = vrcp.f32 v21;
	v12 =	vmul.f32 $5.000000000e-01, v12  }
0x2e7: {  	s20 =	simm.s32 $0x2C0;
	v24 =	vpop (erf);
	(erf) = vrcp.f32 v16;
	v23 =	vadd.f32 v22, v28;
	v22 =	vmul.f32 v25, v7  }
.LBB2_6:
0x2e8: {  	p0 =	sne.s32 s20, $0x9C0;
	v24 =	vmul.f32 v24, v6;
	v25 =	vpop (erf);
	(erf) = vrcp.f32 v12;
	v26 =	vmov v6  }
0x2e9: {  	s6 =	sshra.s32 s20, $0x2;
	v6 =	vmovc v8;
	v8 =	vmovc v11;
	v12 =	vmul.f32 $5.000000000e-01, v23;
	v15 =	vadd.f32 v22, v15;
	v22 =	vmul.f32 v25, v10  }
0x2ea: {  	v11 =	vld [tilespmem:s6+$0x5100];
	v17 =	vadd.f32 v24, v17;
	v23 =	vpop (erf)  }
0x2eb: {  	(erf) = vrcp.f32 v12;
	v24 =	vmul.f32 $5.000000000e-01, v15;
	v15 =	vadd.f32 v22, v19  }
0x2ec: {  	v19 =	vpop (erf);
	v22 =	vmul.f32 $5.000000000e-01, v17;
	v17 =	vmul.f32 v23, v2  }
0x2ed: {  	v23 =	vpop (erf);
	(erf) = vrcp.f32 v24;
	v25 =	vmul.f32 $5.000000000e-01, v15  }
0x2ee: {  	(erf) = vrcp.f32 v22;
	v15 =	vadd.f32 v17, v18;
	v17 =	vmul.f32 v23, v5  }
0x2ef: {  	v18 =	vmul.f32 v19, v6;
	v11 =	vmax.f32 v11, $1.000000000e+00;
	v19 =	vpop (erf);
	(erf) = vrcp.f32 v25  }
0x2f0: {  	v23 =	vpop (erf);
	v27 =	vmul.f32 $5.000000000e-01, v15;
	v15 =	vadd.f32 v17, v20;
	v17 =	vmul.f32 v19, v9  }
0x2f1: {  	v13 =	vadd.f32 v18, v13;
	(erf) = vrcp.f32 v11;
	v18 =	vmul.f32 v23, v4;
	v19 =	vpop (erf)  }
0x2f2: {  	(erf) = vrcp.f32 v27;
	v15 =	vmul.f32 $5.000000000e-01, v15;
	v20 =	vadd.f32 v17, v21;
	[tilespmem:s26+$0x5380] =	vst v19;
	s26 =	smov.u32 s28;
	s28 =	smov.u32 s29;
	s29 =	smov.u32 s30  }
0x2f3: {  	v14 =	vmul.f32 v14, v8;
	v17 =	vmul.f32 $5.000000000e-01, v13;
	s30 =	smov.u32 s31;
	s31 =	smov.u32 s1;
	s1 =	smov.u32 s2  }
0x2f4: {  	s2 =	smov.u32 s16;
	s16 =	smov.u32 s22;
	s22 =	smov.u32 s23;
	v13 =	vadd.f32 v18, v16;
	v16 =	vpop (erf);
	(erf) = vrcp.f32 v15;
	v19 =	vmul.f32 $5.000000000e-01, v20  }
0x2f5: {  	v21 =	vadd.f32 v14, v8;
	s23 =	smov.u32 s24;
	s24 =	smov.u32 s6;
	(erf) = vrcp.f32 v17;
	v16 =	vmul.f32 v16, v3  }
0x2f6: {  	v18 =	vmul.f32 $5.000000000e-01, v13;
	v20 =	vpop (erf);
	(erf) = vrcp.f32 v19  }
0x2f7: {  	v13 =	vmul.f32 $5.000000000e-01, v21;
	v14 =	vpop (erf);
	v12 =	vadd.f32 v16, v12;
	v16 =	vmul.f32 v20, v7  }
0x2f8: {  	v21 =	vmul.f32 v14, v26;
	(erf) = vrcp.f32 v18;
	v14 =	vpop (erf)  }
0x2f9: {  	v20 =	vmul.f32 $5.000000000e-01, v12;
	v12 =	vadd.f32 v16, v24;
	v16 =	vmul.f32 v14, v10;
	v10 =	vmovc v9;
	v9 =	vmovc v7  }
.Ltmp2:
0x2fa: {  	v7 =	vmov v5;
	v14 =	vpop (erf);
	(erf) = vrcp.f32 v13;
	v22 =	vadd.f32 v21, v22;
	(pc) =	sbr.rel @p0 .LBB2_6-.Ltmp2, $4  }
0x2fb: {  	v5 =	vpop (erf);
	(erf) = vrcp.f32 v20;
	v21 =	vmul.f32 $5.000000000e-01, v12;
	v12 =	vadd.f32 v16, v25  }
0x2fc: {  	v16 =	vmul.f32 $5.000000000e-01, v22;
	v22 =	vmul.f32 v5, v2;
	v5 =	vmovc v3;
	v3 =	vmovc v2;
	v2 =	vmov v4  }
0x2fd: {  	v4 =	vmov v26;
	v25 =	vpop (erf);
	(erf) = vrcp.f32 v21;
	v12 =	vmul.f32 $5.000000000e-01, v12  }
0x2fe: {  	s20 =	sadd.s32 $0x40, s20;
	v24 =	vpop (erf);
	(erf) = vrcp.f32 v16;
	v23 =	vadd.f32 v22, v27;
	v22 =	vmul.f32 v25, v7  }
0x2ff: {  	_ = 	snop  }
0x300: {  	v23 =	vmul.f32 $5.000000000e-01, v23  }
0x301: {  	v24 =	vmul.f32 v24, v6;
	v25 =	vpop (erf);
	(erf) = vrcp.f32 v12  }
0x302: {  	v34 =	vadd.f32 v22, v15;
	v35 =	vmul.f32 v25, v10;
	(erf) = vrcp.f32 v23  }
0x303: {  	v17 =	vadd.f32 v24, v17;
	v36 =	vpop (erf)  }
0x304: {  	v37 =	vmul.f32 $5.000000000e-01, v34;
	v38 =	vadd.f32 v35, v19;
	v39 =	vmul.f32 v36, v2  }
0x305: {  	v40 =	vpop (erf);
	v17 =	vmul.f32 $5.000000000e-01, v17  }
0x306: {  	v41 =	vpop (erf);
	(erf) = vrcp.f32 v37;
	v42 =	vmul.f32 $5.000000000e-01, v38;
	v43 =	vadd.f32 v39, v18  }
0x307: {  	v45 =	vmul.f32 v40, v8;
	v44 =	vmul.f32 v41, v5  }
0x308: {  	(erf) = vrcp.f32 v17;
	v46 =	vpop (erf);
	v47 =	vmul.f32 $5.000000000e-01, v43  }
0x309: {  	(erf) = vrcp.f32 v42;
	v48 =	vpop (erf);
	v15 =	vadd.f32 v44, v20;
	v19 =	vmul.f32 v46, v9  }
0x30a: {  	v14 =	vmul.f32 v14, v11;
	v13 =	vadd.f32 v45, v13;
	v49 =	vmul.f32 v48, v4;
	v12 =	vpop (erf)  }
0x30b: {  	(erf) = vrcp.f32 v47;
	v15 =	vmul.f32 $5.000000000e-01, v15;
	v19 =	vadd.f32 v19, v21;
	v50 =	vpop (erf)  }
0x30c: {  	v13 =	vmul.f32 $5.000000000e-01, v13;
	v16 =	vadd.f32 v49, v16;
	v51 =	vmul.f32 v50, v3  }
0x30d: {  	v14 =	vadd.f32 v14, v11;
	(erf) = vrcp.f32 v15;
	v19 =	vmul.f32 $5.000000000e-01, v19  }
0x30e: {  	(erf) = vrcp.f32 v13;
	v16 =	vmul.f32 $5.000000000e-01, v16;
	v18 =	vadd.f32 v51, v23  }
0x30f: {  	v14 =	vmul.f32 $5.000000000e-01, v14;
	(erf) = vrcp.f32 v19  }
0x310: {  	v52 =	vpop (erf);
	(erf) = vrcp.f32 v16;
	v18 =	vmul.f32 $5.000000000e-01, v18  }
0x311: {  	v53 =	vpop (erf);
	v20 =	vmul.f32 v52, v7;
	(erf) = vrcp.f32 v14  }
0x312: {  	v21 =	vmul.f32 v53, v6;
	v54 =	vpop (erf);
	(erf) = vrcp.f32 v18  }
0x313: {  	v20 =	vadd.f32 v20, v37;
	v55 =	vmul.f32 v54, v10  }
0x314: {  	v17 =	vadd.f32 v21, v17;
	v56 =	vpop (erf)  }
0x315: {  	v20 =	vmul.f32 $5.000000000e-01, v20;
	v10 =	vadd.f32 v55, v42;
	v21 =	vmul.f32 v56, v2  }
0x316: {  	v17 =	vmul.f32 $5.000000000e-01, v17;
	v57 =	vpop (erf)  }
0x317: {  	(erf) = vrcp.f32 v20;
	v10 =	vmul.f32 $5.000000000e-01, v10;
	v21 =	vadd.f32 v21, v47;
	v58 =	vpop (erf)  }
0x318: {  	(erf) = vrcp.f32 v17;
	v59 =	vmul.f32 v57, v5;
	v60 =	vpop (erf)  }
0x319: {  	v24 =	vmul.f32 v58, v8;
	v21 =	vmul.f32 $5.000000000e-01, v21;
	v61 =	vpop (erf)  }
0x31a: {  	(erf) = vrcp.f32 v10;
	v62 =	vadd.f32 v59, v15;
	v63 =	vmul.f32 v60, v9;
	v28 =	vpop (erf)  }
0x31b: {  	v13 =	vadd.f32 v24, v13;
	(erf) = vrcp.f32 v21;
	v29 =	vmul.f32 v61, v4;
	v30 =	vpop (erf)  }
0x31c: {  	v31 =	vmul.f32 $5.000000000e-01, v62;
	v32 =	vadd.f32 v63, v19;
	v33 =	vmul.f32 v30, v3  }
0x31d: {  	v34 =	vmul.f32 v28, v11;
	v13 =	vmul.f32 $5.000000000e-01, v13;
	v16 =	vadd.f32 v29, v16  }
0x31e: {  	(erf) = vrcp.f32 v31;
	v35 =	vmul.f32 $5.000000000e-01, v32;
	v36 =	vadd.f32 v33, v18  }
0x31f: {  	v14 =	vadd.f32 v34, v14;
	(erf) = vrcp.f32 v13;
	v37 =	vmul.f32 $5.000000000e-01, v16  }
0x320: {  	(erf) = vrcp.f32 v35;
	v38 =	vmul.f32 $5.000000000e-01, v36  }
0x321: {  	v39 =	vpop (erf);
	v14 =	vmul.f32 $5.000000000e-01, v14;
	(erf) = vrcp.f32 v37  }
0x322: {  	v40 =	vpop (erf);
	v41 =	vmul.f32 v39, v7;
	(erf) = vrcp.f32 v38  }
0x323: {  	v18 =	vmul.f32 v40, v6;
	v10 =	vpop (erf);
	(erf) = vrcp.f32 v14  }
0x324: {  	v19 =	vadd.f32 v41, v20;
	v42 =	vpop (erf)  }
0x325: {  	v17 =	vadd.f32 v18, v17;
	v43 =	vmul.f32 v42, v2  }
0x326: {  	v19 =	vmul.f32 $5.000000000e-01, v19  }
0x327: {  	v17 =	vmul.f32 $5.000000000e-01, v17;
	v44 =	vpop (erf);
	v18 =	vadd.f32 v43, v21  }
0x328: {  	(erf) = vrcp.f32 v19;
	v45 =	vpop (erf);
	v20 =	vmul.f32 v44, v5  }
0x329: {  	v21 =	vmul.f32 v45, v8;
	v46 =	vpop (erf);
	v18 =	vmul.f32 $5.000000000e-01, v18  }
0x32a: {  	(erf) = vrcp.f32 v17;
	v20 =	vadd.f32 v20, v31;
	v47 =	vmul.f32 v46, v9;
	v48 =	vpop (erf)  }
0x32b: {  	v13 =	vadd.f32 v21, v13;
	(erf) = vrcp.f32 v18;
	v49 =	vmul.f32 v48, v4;
	v50 =	vpop (erf)  }
0x32c: {  	v20 =	vmul.f32 $5.000000000e-01, v20;
	v9 =	vadd.f32 v47, v35;
	v51 =	vpop (erf);
	v23 =	vmul.f32 v50, v3  }
0x32d: {  	v13 =	vmul.f32 $5.000000000e-01, v13;
	v15 =	vadd.f32 v49, v37;
	v52 =	vmul.f32 v51, v11  }
0x32e: {  	(erf) = vrcp.f32 v20;
	v9 =	vmul.f32 $5.000000000e-01, v9;
	v16 =	vadd.f32 v23, v38  }
0x32f: {  	(erf) = vrcp.f32 v13;
	v15 =	vmul.f32 $5.000000000e-01, v15;
	v14 =	vadd.f32 v52, v14  }
0x330: {  	(erf) = vrcp.f32 v9;
	v16 =	vmul.f32 $5.000000000e-01, v16  }
0x331: {  	(erf) = vrcp.f32 v15;
	v14 =	vmul.f32 $5.000000000e-01, v14  }
0x332: {  	v53 =	vpop (erf);
	(erf) = vrcp.f32 v16  }
0x333: {  	v9 =	vmul.f32 v53, v7;
	(erf) = vrcp.f32 v14  }
0x334: {  	v54 =	vpop (erf)  }
0x335: {  	v21 =	vmul.f32 v54, v6;
	v9 =	vadd.f32 v9, v19  }
0x336: {  	v55 =	vpop (erf)  }
0x337: {  	v17 =	vadd.f32 v21, v17;
	v56 =	vpop (erf)  }
0x338: {  	v57 =	vmul.f32 $5.000000000e-01, v9;
	v19 =	vmul.f32 v55, v2;
	v58 =	vpop (erf)  }
0x339: {  	v17 =	vmul.f32 $5.000000000e-01, v17;
	v21 =	vmul.f32 v56, v5;
	v9 =	vpop (erf)  }
0x33a: {  	(erf) = vrcp.f32 v57;
	v18 =	vadd.f32 v19, v18;
	v59 =	vmul.f32 v58, v8;
	v60 =	vpop (erf)  }
0x33b: {  	(erf) = vrcp.f32 v17;
	v20 =	vadd.f32 v21, v20;
	v61 =	vmul.f32 v60, v4;
	v62 =	vpop (erf)  }
0x33c: {  	v18 =	vmul.f32 $5.000000000e-01, v18;
	v13 =	vadd.f32 v59, v13;
	v63 =	vpop (erf);
	v23 =	vmul.f32 v62, v3  }
0x33d: {  	v20 =	vmul.f32 $5.000000000e-01, v20;
	v15 =	vadd.f32 v61, v15;
	v19 =	vmul.f32 v63, v11  }
0x33e: {  	v13 =	vmul.f32 $5.000000000e-01, v13;
	(erf) = vrcp.f32 v18;
	v16 =	vadd.f32 v23, v16  }
0x33f: {  	v15 =	vmul.f32 $5.000000000e-01, v15;
	(erf) = vrcp.f32 v20;
	v14 =	vadd.f32 v19, v14  }
0x340: {  	(erf) = vrcp.f32 v13;
	v16 =	vmul.f32 $5.000000000e-01, v16  }
0x341: {  	(erf) = vrcp.f32 v15;
	v14 =	vmul.f32 $5.000000000e-01, v14  }
0x342: {  	(erf) = vrcp.f32 v16  }
0x343: {  	v24 =	vpop (erf);
	(erf) = vrcp.f32 v14  }
0x344: {  	v25 =	vmul.f32 v24, v7;
	v26 =	vpop (erf)  }
0x345: {  	v19 =	vmul.f32 v26, v6  }
0x346: {  	v7 =	vadd.f32 v25, v57  }
0x347: {  	v17 =	vadd.f32 v19, v17;
	v27 =	vpop (erf)  }
0x348: {  	v7 =	vmul.f32 $5.000000000e-01, v7;
	v28 =	vmul.f32 v27, v2;
	v29 =	vpop (erf)  }
0x349: {  	v17 =	vmul.f32 $5.000000000e-01, v17;
	v21 =	vmul.f32 v29, v5;
	v30 =	vpop (erf)  }
0x34a: {  	(erf) = vrcp.f32 v7;
	v31 =	vadd.f32 v28, v18;
	v32 =	vmul.f32 v30, v8;
	v33 =	vpop (erf)  }
0x34b: {  	(erf) = vrcp.f32 v17;
	v20 =	vadd.f32 v21, v20;
	v19 =	vmul.f32 v33, v4;
	v34 =	vpop (erf)  }
0x34c: {  	v35 =	vmul.f32 $5.000000000e-01, v31;
	v36 =	vadd.f32 v32, v13;
	v37 =	vpop (erf);
	v38 =	vmul.f32 v34, v3  }
0x34d: {  	v20 =	vmul.f32 $5.000000000e-01, v20;
	v15 =	vadd.f32 v19, v15;
	v13 =	vmul.f32 v37, v11  }
0x34e: {  	(erf) = vrcp.f32 v35;
	v39 =	vmul.f32 $5.000000000e-01, v36;
	v40 =	vadd.f32 v38, v16  }
0x34f: {  	(erf) = vrcp.f32 v20;
	v15 =	vmul.f32 $5.000000000e-01, v15;
	v13 =	vadd.f32 v13, v14  }
0x350: {  	(erf) = vrcp.f32 v39;
	v41 =	vmul.f32 $5.000000000e-01, v40  }
0x351: {  	(erf) = vrcp.f32 v15;
	v13 =	vmul.f32 $5.000000000e-01, v13  }
0x352: {  	(erf) = vrcp.f32 v41  }
0x353: {  	v7 =	vpop (erf);
	(erf) = vrcp.f32 v13  }
0x354: {  	v42 =	vpop (erf)  }
0x355: {  	v16 =	vmul.f32 v42, v6;
	_ =	sdelay $0x1  }
0x356: {  	v16 =	vadd.f32 v16, v17;
	v43 =	vpop (erf)  }
0x357: {  	v44 =	vmul.f32 v43, v2;
	v45 =	vpop (erf)  }
0x358: {  	v16 =	vmul.f32 $5.000000000e-01, v16;
	v46 =	vmul.f32 v45, v5;
	v47 =	vpop (erf)  }
0x359: {  	v17 =	vadd.f32 v44, v35;
	v18 =	vmul.f32 v47, v8;
	v48 =	vpop (erf)  }
0x35a: {  	(erf) = vrcp.f32 v16;
	v5 =	vadd.f32 v46, v20;
	v49 =	vmul.f32 v48, v4;
	v50 =	vpop (erf)  }
0x35b: {  	v17 =	vmul.f32 $5.000000000e-01, v17;
	v18 =	vadd.f32 v18, v39;
	v51 =	vmul.f32 v50, v3;
	v52 =	vpop (erf)  }
0x35c: {  	v5 =	vmul.f32 $5.000000000e-01, v5;
	v15 =	vadd.f32 v49, v15;
	v53 =	vmul.f32 v52, v11  }
0x35d: {  	(erf) = vrcp.f32 v17;
	v18 =	vmul.f32 $5.000000000e-01, v18;
	v14 =	vadd.f32 v51, v41  }
0x35e: {  	(erf) = vrcp.f32 v5;
	v15 =	vmul.f32 $5.000000000e-01, v15;
	v54 =	vadd.f32 v53, v13  }
0x35f: {  	(erf) = vrcp.f32 v18;
	v55 =	vmul.f32 $5.000000000e-01, v14  }
0x360: {  	(erf) = vrcp.f32 v15;
	v56 =	vmul.f32 $5.000000000e-01, v54  }
0x361: {  	(erf) = vrcp.f32 v55  }
0x362: {  	(erf) = vrcp.f32 v56;
	_ =	sdelay $0x2  }
0x363: {  	v57 =	vpop (erf)  }
0x364: {  	v58 =	vpop (erf)  }
0x365: {  	v59 =	vmul.f32 v57, v6;
	v5 =	vpop (erf)  }
0x366: {  	v19 =	vmul.f32 v58, v2;
	v60 =	vpop (erf)  }
0x367: {  	v16 =	vadd.f32 v59, v16;
	v61 =	vmul.f32 v60, v8;
	v62 =	vpop (erf)  }
0x368: {  	v17 =	vadd.f32 v19, v17;
	v63 =	vmul.f32 v62, v4;
	v24 =	vpop (erf)  }
0x369: {  	v16 =	vmul.f32 $5.000000000e-01, v16;
	v18 =	vadd.f32 v61, v18;
	v3 =	vmul.f32 v24, v3;
	v25 =	vpop (erf)  }
0x36a: {  	v17 =	vmul.f32 $5.000000000e-01, v17;
	v15 =	vadd.f32 v63, v15;
	v26 =	vmul.f32 v25, v11  }
0x36b: {  	(erf) = vrcp.f32 v16;
	v18 =	vmul.f32 $5.000000000e-01, v18;
	v3 =	vadd.f32 v3, v55  }
0x36c: {  	(erf) = vrcp.f32 v17;
	v27 =	vmul.f32 $5.000000000e-01, v15;
	v14 =	vadd.f32 v26, v56  }
0x36d: {  	(erf) = vrcp.f32 v18;
	v3 =	vmul.f32 $5.000000000e-01, v3  }
0x36e: {  	(erf) = vrcp.f32 v27;
	v14 =	vmul.f32 $5.000000000e-01, v14  }
0x36f: {  	(erf) = vrcp.f32 v3  }
0x370: {  	(erf) = vrcp.f32 v14;
	_ =	sdelay $0x3  }
0x371: {  	v3 =	vpop (erf)  }
0x372: {  	v28 =	vpop (erf)  }
0x373: {  	v3 =	vmul.f32 v3, v6;
	v29 =	vpop (erf)  }
0x374: {  	v15 =	vmul.f32 v28, v2;
	v30 =	vpop (erf)  }
0x375: {  	v3 =	vadd.f32 v3, v16;
	v31 =	vmul.f32 v29, v8;
	v32 =	vpop (erf)  }
0x376: {  	v15 =	vadd.f32 v15, v17;
	v33 =	vmul.f32 v30, v4;
	v34 =	vpop (erf)  }
0x377: {  	v3 =	vmul.f32 $5.000000000e-01, v3;
	v16 =	vadd.f32 v31, v18;
	v35 =	vmul.f32 v34, v11  }
0x378: {  	v15 =	vmul.f32 $5.000000000e-01, v15;
	v13 =	vadd.f32 v33, v27  }
0x379: {  	(erf) = vrcp.f32 v3;
	v16 =	vmul.f32 $5.000000000e-01, v16;
	v14 =	vadd.f32 v35, v14  }
0x37a: {  	(erf) = vrcp.f32 v15;
	v13 =	vmul.f32 $5.000000000e-01, v13  }
0x37b: {  	(erf) = vrcp.f32 v16;
	v14 =	vmul.f32 $5.000000000e-01, v14  }
0x37c: {  	(erf) = vrcp.f32 v13  }
0x37d: {  	(erf) = vrcp.f32 v14;
	_ =	sdelay $0x4  }
0x37e: {  	v36 =	vpop (erf)  }
0x37f: {  	v17 =	vmul.f32 v36, v6;
	v37 =	vpop (erf)  }
0x380: {  	v2 =	vmul.f32 v37, v2;
	v38 =	vpop (erf)  }
0x381: {  	v3 =	vadd.f32 v17, v3;
	v39 =	vmul.f32 v38, v8;
	v40 =	vpop (erf)  }
0x382: {  	v2 =	vadd.f32 v2, v15;
	v41 =	vmul.f32 v40, v4;
	v42 =	vpop (erf)  }
0x383: {  	v3 =	vmul.f32 $5.000000000e-01, v3;
	v16 =	vadd.f32 v39, v16;
	v43 =	vmul.f32 v42, v11  }
0x384: {  	v2 =	vmul.f32 $5.000000000e-01, v2;
	v13 =	vadd.f32 v41, v13  }
0x385: {  	(erf) = vrcp.f32 v3;
	v44 =	vmul.f32 $5.000000000e-01, v16;
	v14 =	vadd.f32 v43, v14  }
0x386: {  	(erf) = vrcp.f32 v2;
	v2 =	vmul.f32 $5.000000000e-01, v13  }
0x387: {  	(erf) = vrcp.f32 v44;
	v45 =	vmul.f32 $5.000000000e-01, v14  }
0x388: {  	(erf) = vrcp.f32 v2  }
0x389: {  	(erf) = vrcp.f32 v45;
	_ =	sdelay $0x4  }
0x38a: {  	v46 =	vpop (erf)  }
0x38b: {  	v47 =	vpop (erf)  }
0x38c: {  	v14 =	vmul.f32 v46, v6;
	v48 =	vpop (erf)  }
0x38d: {  	v17 =	vmul.f32 v48, v8;
	v49 =	vpop (erf)  }
0x38e: {  	v3 =	vadd.f32 v14, v3;
	v50 =	vmul.f32 v49, v4;
	v51 =	vpop (erf)  }
0x38f: {  	v15 =	vadd.f32 v17, v44;
	v14 =	vmul.f32 v51, v11  }
0x390: {  	v3 =	vmul.f32 $5.000000000e-01, v3;
	v2 =	vadd.f32 v50, v2  }
0x391: {  	v52 =	vmul.f32 $5.000000000e-01, v15;
	v13 =	vadd.f32 v14, v45  }
0x392: {  	(erf) = vrcp.f32 v3;
	v2 =	vmul.f32 $5.000000000e-01, v2  }
0x393: {  	(erf) = vrcp.f32 v52;
	v13 =	vmul.f32 $5.000000000e-01, v13  }
0x394: {  	(erf) = vrcp.f32 v2  }
0x395: {  	(erf) = vrcp.f32 v13;
	_ =	sdelay $0x5  }
0x396: {  	v2 =	vpop (erf)  }
0x397: {  	v53 =	vpop (erf)  }
0x398: {  	v2 =	vmul.f32 v2, v6;
	v54 =	vpop (erf)  }
0x399: {  	v14 =	vmul.f32 v53, v8;
	v55 =	vpop (erf)  }
0x39a: {  	v2 =	vadd.f32 v2, v3;
	v3 =	vmul.f32 v55, v11  }
0x39b: {  	v4 =	vadd.f32 v14, v52  }
0x39c: {  	v2 =	vmul.f32 $5.000000000e-01, v2;
	v3 =	vadd.f32 v3, v13  }
0x39d: {  	v4 =	vmul.f32 $5.000000000e-01, v4  }
0x39e: {  	(erf) = vrcp.f32 v2;
	v3 =	vmul.f32 $5.000000000e-01, v3  }
0x39f: {  	(erf) = vrcp.f32 v4  }
0x3a0: {  	(erf) = vrcp.f32 v3;
	_ =	sdelay $0x6  }
0x3a1: {  	v56 =	vpop (erf)  }
0x3a2: {  	v57 =	vmul.f32 v56, v6;
	v58 =	vpop (erf)  }
0x3a3: {  	v13 =	vmul.f32 v58, v8;
	v59 =	vpop (erf)  }
0x3a4: {  	v2 =	vadd.f32 v57, v2;
	v60 =	vmul.f32 v59, v11  }
0x3a5: {  	v4 =	vadd.f32 v13, v4  }
0x3a6: {  	v2 =	vmul.f32 $5.000000000e-01, v2;
	v3 =	vadd.f32 v60, v3  }
0x3a7: {  	v4 =	vmul.f32 $5.000000000e-01, v4  }
0x3a8: {  	(erf) = vrcp.f32 v2;
	v2 =	vmul.f32 $5.000000000e-01, v3  }
0x3a9: {  	(erf) = vrcp.f32 v4  }
0x3aa: {  	(erf) = vrcp.f32 v2;
	_ =	sdelay $0x6  }
0x3ab: {  	v3 =	vpop (erf)  }
0x3ac: {  	v61 =	vpop (erf)  }
0x3ad: {  	v6 =	vmul.f32 v61, v8;
	v62 =	vpop (erf)  }
0x3ae: {  	v8 =	vmul.f32 v62, v11  }
0x3af: {  	v4 =	vadd.f32 v6, v4  }
0x3b0: {  	v2 =	vadd.f32 v8, v2  }
0x3b1: {  	v4 =	vmul.f32 $5.000000000e-01, v4  }
0x3b2: {  	v2 =	vmul.f32 $5.000000000e-01, v2  }
0x3b3: {  	(erf) = vrcp.f32 v4  }
0x3b4: {  	(erf) = vrcp.f32 v2;
	_ =	sdelay $0x7  }
0x3b5: {  	v4 =	vpop (erf)  }
0x3b6: {  	v63 =	vpop (erf)  }
0x3b7: {  	v6 =	vmul.f32 v63, v11;
	_ =	sdelay $0x1  }
0x3b8: {  	v2 =	vadd.f32 v6, v2;
	_ =	sdelay $0x1  }
0x3b9: {  	v2 =	vmul.f32 $5.000000000e-01, v2;
	_ =	sdelay $0x1  }
0x3ba: {  	[tilespmem:s26+$0x5380] =	vst v12;
	(erf) = vrcp.f32 v2  }
0x3bb: {  	[tilespmem:s28+$0x5380] =	vst v10  }
0x3bc: {  	[tilespmem:s29+$0x5380] =	vst v9  }
0x3bd: {  	[tilespmem:s30+$0x5380] =	vst v7  }
0x3be: {  	[tilespmem:s31+$0x5380] =	vst v5  }
0x3bf: {  	[tilespmem:s1+$0x5380] =	vst v32  }
0x3c0: {  	[tilespmem:s2+$0x5380] =	vst v47  }
0x3c1: {  	[tilespmem:s16+$0x5380] =	vst v54  }
0x3c2: {  	[tilespmem:s22+$0x5380] =	vst v3  }
0x3c3: {  	[tilespmem:s23+$0x5380] =	vst v4;
	v2 =	vpop (erf)  }
0x3c4: {  	s29 =	simm.s32 $0x5380;
	[tilespmem:s24+$0x5380] =	vst v2  }
0x3c5: {  	[spmem:s9] =	stream.linear.scatter [tilespmem:s29], [sflag:$0x1], $0x280, $0x38;
	[tilespmem:$0x6200] =	vst v63  }
0x3c6: {  	_ =	swait.ge [sflag:s15], $0x280  }
0x3c7: {  	[sflag:s15] =	ssyncset.done $0x0  }
0x3c8: {  	[sflag:s15] =	ssyncadd.s32 $0xFFFFFD80  }
0x3c9: {  	s30 =	simm.s32 $0x0;
	[bflag:$0x0] =	sbarrier.arrive $0xFFFF  }
0x3ca: {  	[tilespmem:s21], [sflag:$0x1] =	stream.indirect.gather [spmem:s0], $0x1, s30, s18, $0xb8;
	[tilespmem:$0x6200] =	vst v63  }
0x3cb: {  	_ =	swait.ge [sflag:s15], $0x80  }
0x3cc: {  	[sflag:s15] =	ssyncset.done $0x0  }
0x3cd: {  	s31 =	simm.s32 $0x2800;
	[sflag:s15] =	ssyncadd.s32 $0xFFFFFF80  }
0x3ce: {  	[spmem:s4] =	stream.indirect.scatter.add.f32 [tilespmem:s21], [sflag:$0x1], $0x1, s31, s18, $0xb8;
	[tilespmem:$0x6200] =	vst v63  }
0x3cf: {  	_ =	swait.ge [sflag:s15], $0x80  }
0x3d0: {  	s1 =	simm.s32 $0x200;
	s2 =	simm.s32 $0x400;
	[sflag:s15] =	ssyncset.done $0x0  }
.LBB2_8:
0x3d1: {  	s6 =	sshra.s32 s1, $0x2  }
0x3d2: {  	[sflag:s15] =	ssyncadd.s32 $0xFFFFFF80;
	s1 =	smov.u32 s2;
	s16 =	sadd.s32 $0x200, s2  }
0x3d3: {  	[tilespmem:s21], [sflag:$0x1] =	stream.indirect.gather [spmem:s0], $0x1, s6, s18, $0xb8;
	[tilespmem:$0x6200] =	vst v63  }
0x3d4: {  	p0 =	sne.s32 s2, $0x9C00;
	_ =	swait.ge [sflag:s15], $0x80  }
.Ltmp3:
0x3d5: {  	[sflag:s15] =	ssyncset.done $0x0;
	(pc) =	sbr.rel @p0 .LBB2_8-.Ltmp3, $4  }
0x3d6: {  	s2 =	sadd.s32 $0x2800, s6;
	[sflag:s15] =	ssyncadd.s32 $0xFFFFFF80  }
0x3d7: {  	[spmem:s4] =	stream.indirect.scatter.add.f32 [tilespmem:s21], [sflag:$0x1], $0x1, s2, s18, $0xb8;
	[tilespmem:$0x6200] =	vst v63  }
0x3d8: {  	_ =	swait.ge [sflag:s15], $0x80  }
0x3d9: {  	s2 =	smov.u32 s16;
	[sflag:s15] =	ssyncset.done $0x0  }
0x3da: {  	s1 =	sshra.s32 s1, $0x2;
	[sflag:s15] =	ssyncadd.s32 $0xFFFFFF80  }
0x3db: {  	[tilespmem:s21], [sflag:$0x1] =	stream.indirect.gather [spmem:s0], $0x1, s1, s18, $0xb8;
	[tilespmem:$0x6200] =	vst v63  }
0x3dc: {  	_ =	swait.ge [sflag:s15], $0x80  }
0x3dd: {  	[sflag:s15] =	ssyncset.done $0x0  }
0x3de: {  	s1 =	sadd.s32 $0x2800, s1;
	[sflag:s15] =	ssyncadd.s32 $0xFFFFFF80  }
0x3df: {  	[spmem:s4] =	stream.indirect.scatter.add.f32 [tilespmem:s21], [sflag:$0x1], $0x1, s1, s18, $0xb8;
	[tilespmem:$0x6200] =	vst v63  }
0x3e0: {  	_ =	swait.ge [sflag:s15], $0x80  }
0x3e1: {  	[sflag:s15] =	ssyncset.done $0x0  }
0x3e2: {  	[sflag:s15] =	ssyncadd.s32 $0xFFFFFF80  }
0x3e3: {  	s30 =	simm.s32 $0x5600;
	[bflag:$0x0] =	sbarrier.arrive $0xFFFF  }
0x3e4: {  	[tilespmem:s30], [sflag:$0x1] =	stream.linear.gather [spmem:s11], $0x140, $0x38;
	[tilespmem:$0x6200] =	vst v63  }
0x3e5: {  	_ =	swait.ge [sflag:s15], $0x140  }
0x3e6: {  	[sflag:s15] =	ssyncset.done $0x0  }
0x3e7: {  	s31 =	simm.s32 $0x5780;
	[sflag:s15] =	ssyncadd.s32 $0xFFFFFEC0  }
0x3e8: {  	[tilespmem:s31], [sflag:$0x1] =	stream.linear.gather [spmem:s12], $0x140, $0x38;
	[tilespmem:$0x6200] =	vst v63  }
0x3e9: {  	_ =	swait.ge [sflag:s15], $0x140  }
0x3ea: {  	[sflag:s15] =	ssyncset.done $0x0  }
0x3eb: {  	s1 =	simm.s32 $0x0;
	[sflag:s15] =	ssyncadd.s32 $0xFFFFFEC0  }
0x3ec: {  	v2 =	vld [tilespmem:s1+$0x5600]  }
0x3ed: {  	s2 =	simm.s32 $0x40;
	v3 =	vld [tilespmem:s1+$0x5780]  }
.LBB2_10:
0x3ee: {  	_ = 	snop  }
0x3ef: {  	p0 =	sne.s32 s2, $0x4C0  }
.Ltmp4:
0x3f0: {  	_ = 	snop;
	(pc) =	sbr.rel @p0 .LBB2_10-.Ltmp4, $4  }
0x3f1: {  	_ = 	snop  }
0x3f2: {  	s6 =	sshra.s32 s2, $0x2;
	v4 =	vmul.f32 v3, v2  }
0x3f3: {  	v2 =	vld [tilespmem:s6+$0x5600]  }
0x3f4: {  	s2 =	sadd.s32 $0x40, s2;
	v3 =	vld [tilespmem:s6+$0x5780];
	[tilespmem:s1+$0x5900] =	vst v4;
	s1 =	smov.u32 s6  }
0x3f5: {  	_ =	sdelay $0x3  }
0x3f6: {  	s25 =	sadd.s32 $0x1, s25;
	v2 =	vmul.f32 v3, v2  }
0x3f7: {  	p0 =	sne.s32 s25, s14  }
.Ltmp5:
0x3f8: {  	s31 =	simm.s32 $0x5900;
	[tilespmem:s1+$0x5900] =	vst v2;
	(pc) =	sbr.rel @p0 .LBB2_1-.Ltmp5, $4  }
0x3f9: {  	[hbm4b:s13+s5] =	stream.linear.scatter [tilespmem:s31], [sflag:$0x1], $0x140, $0x38;
	[tilespmem:$0x6200] =	vst v63  }
0x3fa: {  	_ =	swait.ge [sflag:s15], $0x140  }
0x3fb: {  	[sflag:s15] =	ssyncset.done $0x0  }
0x3fc: {  	[sflag:s15] =	ssyncadd.s32 $0xFFFFFEC0  }
0x3fd: {  	_ =	sfence.sel $0x180000  }
0x3fe: {  	[bflag:$0x0] =	sbarrier.arrive $0xFFFF  }
0x3ff: {  	_ =	strace $0x90000047  }
0x400: {  	s0 =	stileid.u32;
	[bflag:$0x2] =	sbarrier.arrive $0xFFFF  }
0x401: {  	p0 =	sne.s32 s0, $0x0;
	s0 =	rddreg [dreg:$0x5]  }
0x402: {  	s0 =	sadd.s32 @!p0 $0x100000, s0  }
0x403: {  	[sflag:s0] =	ssyncadd.tile.s32 @!p0 $0x1;
	_ =	shalt  }
.Lfunc_end2:
_tile_overlayer_lowered:
.L_overlay_start_2:
0x404: {  	(tag) =	ssettag $0x2  }
0x405: {  	s0 =	rddreg [dreg:$0x0];
	s2 =	stileid.u32  }
0x406: {  	s1 =	rddreg [dreg:$0x1];
	p0 =	sne.s32 s2, $0x0  }
0x407: {  	s3 =	rddreg [dreg:$0x2];
	[bflag:$0x3] =	sbarrier.arrive $0xFFFF;
	s2 =	simm.s32 @!p0 $0x1C01  }
0x408: {  	[timem:s3], [sflag:s2] =	dma.local @!p0 [hbm:s0], s1  }
0x409: {  	s0 =	simm.s32 @!p0 $0x1  }
0x40a: {  	_ =	swait.ge @!p0 [sflag:s0], s1  }
0x40b: {  	s1 =	ssub.s32 @!p0 $0x0, s1;
	[sflag:s0] =	ssyncset.done @!p0 $0x0  }
0x40c: {  	[sflag:s0] =	ssyncadd.s32 @!p0 s1  }
0x40d: {  	[bflag:$0x3] =	sbarrier.arrive $0xFFFF  }
0x40e: {  	_ =	shalt  }

// kernel: sparse-core-data-format-call.cloned.1.call-start
scs
called_computation_lowered:
.L_overlay_start_0:
0x0: {  	s2 =	sld [smem:$0x3FD9]  }
0x1: {  	s3 =	sld [smem:$0x3FFE];
	_ =	sdelay $0x1  }
0x2: {  	s1 =	srdreg.scid  }
0x3: {  	s0 =	sand.u32 $0x1, s1  }
0x4: {  	s18 =	sshll.u32 s0, $0xA;
	s2 =	sadd.s32 s3, s2  }
0x5: {  	s2 =	sadd.s32 s2, s18  }
0x6: {  	[smem:$0x3FBE] =	sst s2  }
0x7: {  	_ = 	snop  }
0x8: {  	s2 =	sld [smem:$0x3FD0];
	(tm) =	ssettm $0x1  }
0x9: {  	s19 =	sld [smem:$0x3FFB];
	_ =	sdelay $0x3  }
0xa: {  	_ =	strace s19  }
0xb: {  	s3 =	sld [smem:$0x3FFC];
	_ =	sdelay $0x3  }
0xc: {  	_ =	strace s3  }
0xd: {  	s3 =	sld [smem:$0x3FFD];
	_ =	sdelay $0x3  }
0xe: {  	_ =	strace s3  }
0xf: {  	_ =	strace $0x8FFFFFFF  }
0x10: {  	s20 =	sld [smem:$0x3FDB];
	_ =	sdelay $0x1  }
0x11: {  	s4 =	simm.s32 $_scs_section_size  }
0x12: {  	s5 =	simm.s32 $_size__tile_overlayer_lowered;
	s6 =	simm.s32 $_tile_overlayer_lowered  }
0x13: {  	s23 =	simm.s32 $0x1BFF;
	s22 =	sshll.u32 s6, $0x1;
	s3 =	sadd.s32 s4, s20  }
0x14: {  	s7 =	simm.s32 $0x0;
	s21 =	sshll.u32 s5, $0x1;
	s5 =	sadd.s32 s22, s3  }
0x15: {  	[timem:s7], [sflag:s23] =	dma.local [hbm:s5], s21  }
0x16: {  	_ =	swait.ge [sflag:s23], s21  }
0x17: {  	s4 =	ssub.s32 $0x0, s21;
	[sflag:s23] =	ssyncset.done $0x0  }
0x18: {  	[sflag:s23] =	ssyncadd.s32 s4;
	_ =	sdelay $0x1  }
0x19: {  	s24 =	simm.s32 $0x1B8B  }
0x1a: {  	_ =	swait.ge [sflag:s24], $0x1  }
0x1b: {  	[sflag:s24] =	ssyncset.done $0x0  }
0x1c: {  	s26 =	simm.s32 $0x1B8E;
	s25 =	sld [smem:$0x3FFE];
	[sflag:s24] =	ssyncadd.s32 $0xFFFFFFFF  }
0x1d: {  	s27 =	simm.s32 $execute0_lowered;
	[smem:$0x3FD2] =	sst s26  }
0x1e: {  	s5 =	sshll.u32 s27, $0x1;
	_ =	strace $0x80000049;
	[dreg:$0x1] =	wrdreg $0xFFFFFFFF  }
0x1f: {  	s28 =	simm.s32 $_size_execute0_lowered;
	s3 =	sadd.s32 s3, s5;
	[dreg:$0x0] =	wrdreg $0x0  }
0x20: {  	s5 =	sshll.u32 s28, $0x1;
	[dreg:$0x2] =	wrdreg s3  }
0x21: {  	[dreg:$0x3] =	wrdreg s5  }
0x22: {  	[dreg:$0x4] =	wrdreg $0xC0  }
0x23: {  	_ =	task [dreg:s7], $0x5FFFF  }
0x24: {  	[dreg:$0x1] =	wrdreg $0xFFFFFFFF  }
0x25: {  	[dreg:$0x0] =	wrdreg $0x60  }
0x26: {  	[dreg:$0x2] =	wrdreg s25  }
0x27: {  	[dreg:$0x3] =	wrdreg s2  }
0x28: {  	[dreg:$0x4] =	wrdreg $0x9  }
0x29: {  	_ =	task.clear_ibuf [dreg:s7], $0x5FFFF;
	_ =	strace $0x90000049  }
0x2a: {  	s29 =	simm.s32 $0x9;
	_ =	strace $0x8000004B  }
0x2b: {  	_ =	swait.ge [sflag:s29], $0x1  }
0x2c: {  	[sflag:s29] =	ssyncadd.s32 $0xFFFFFFFF  }
0x2d: {  	_ =	strace $0x9000004B  }
0x2e: {  	_ =	sfence  }
0x2f: {  	s30 =	sld [smem:$0x0];
	_ =	sdelay $0x2  }
0x30: {  	s31 =	sshll.u32 s1, $0xD;
	s1 =	sshrl.u32 s1, $0x2  }
0x31: {  	s3 =	sand.u32 $0x4000, s31;
	s1 =	sadd.s32 s1, s30  }
0x32: {  	s0 =	sor.u32 s3, s0;
	s1 =	sshll.u32 s1, $0x11  }
0x33: {  	s0 =	sor.u32 s1, s0  }
0x34: {  	s0 =	sadd.s32 $0x8F2B, s0  }
0x35: {  	[sflag:s0] =	ssyncadd.remote.s32 $0x1  }
0x36: {  	_ =	sfence.sel $0xFFFF  }
0x37: {  	[dreg:$0x0] =	wrdreg $0xFFFFFFFF;
	(pc) =	sbr.abs _section_cstart, $3  }
0x38: {  	[dreg:$0x1] =	wrdreg $0xFFFFFFFF  }
0x39: {  	_ =	task.clear_ibuf [dreg:s7], $0x2FFFF;
	_ =	strace $0x9FFFFFFF  }
0x3a: {  	(tm) =	ssettm $0x7FFFFFFF  }
0x3b: {  	_ =	shalt  }
tec
execute0_lowered:
.L_overlay_start_1:
0x0: {  	(tag) =	ssettag $0x1  }
0x1: {  	s0 =	srdreg.scid;
	s6 =	rddreg [dreg:$0x0]  }
0x2: {  	s3 =	rddreg [dreg:$0x1];
	s1 =	sshll.u32 s0, $0x4  }
0x3: {  	s7 =	simm.s32 $0x1;
	s0 =	stileid.u32;
	s1 =	sand.u32 $0x10, s1  }
0x4: {  	s8 =	simm.s32 $0x2;
	s9 =	simm.s32 $0x0;
	s1 =	sor.u32 s0, s1  }
0x5: {  	s13 =	simm.s32 $0x0;
	s14 =	simm.s32 $0x0;
	s2 =	sshll.u32 s1, $0x5  }
0x6: {  	s11 =	simm.s32 $0x0;
	s12 =	simm.s32 $0x0;
	s5 =	ssub.s32 $0x4E20, s2  }
.Ltmp0:
0x7: {  	s6 =	sadd.s32 $0x1200, s6;
	s4 =	sand.u32 $0x3E0, s5;
	(pc) =	sbr.rel .LBB1_1-.Ltmp0, $4  }
0x8: {  	s1 =	rddreg [dreg:$0x2];
	_ =	strace $0x8000004A;
	p0 =	sne.s32 s4, $0x0  }
0x9: {  	s5 =	sshrl.u32 s5, $0xA;
	s4 =	simm.s32 $0x1;
	s7 =	simm.s32 @!p0 $0x0  }
0xa: {  	s10 =	smov.u32 s2;
	[sflag:s4] =	ssyncpa.u1 $0x0;
	s5 =	sadd.s32 s7, s5  }
0xb: {  	[sflag:s8] =	ssyncpa.u1 $0x0;
	s8 =	simm.s32 $0x0;
	s7 =	sadd.s32 $0x1, s5  }
.LBB1_7:
0xc: {  	s15 =	sadd.s32 $0x400, s10  }
0xd: {  	s13 =	sadd.s32 $0x4, s11;
	s17 =	smov.u32 s11;
	p1 =	sgt.s32 s15, $0x4E1F  }
0xe: {  	s17 =	smov.u32 @p1 s13  }
0xf: {  	s15 =	smov.u32 @p1 s2;
	p1 =	sgt.s32 s17, $0x3  }
0x10: {  	s17 =	simm.s32 @p1 $0x0;
	p1 =	sne.s32 s12, s7  }
.Ltmp1:
0x11: {  	p0 =	slt.u32 s12, $0x2;
	(pc) =	sbr.rel @!p1 .LBB1_8-.Ltmp1, $4  }
0x12: {  	s16 =	simm.s32 @!p0 $0x2  }
0x13: {  	s14 =	smov.u32 s11;
	s9 =	sadd.s32 $0x4000, s9;
	_ =	swait.ge @!p0 [sflag:s16], $0x4000  }
0x14: {  	s13 =	smov.u32 s10;
	[sflag:s16] =	ssyncset.done @!p0 $0x0;
	s10 =	smov.u32 s15  }
0x15: {  	s12 =	sadd.s32 $0x1, s12;
	[sflag:s16] =	ssyncadd.s32 @!p0 $0xFFFFC000;
	s11 =	smov.u32 s17  }
.LBB1_1:
0x16: {  	p0 =	sge.u32 s12, s5  }
0x17: {  	s15 =	sand.u32 @!p0 $0x1FFFFFF, s10  }
0x18: {  	s16 =	smulhi.u32 @!p0 $0x1A36E2F, s15;
	_ =	sdelay $0x1  }
0x19: {  	s16 =	sshrl.u32 @!p0 s16, $0x7  }
0x1a: {  	s16 =	smul.u32 @!p0 $0x4E20, s16  }
0x1b: {  	s17 =	sxor.u32 @!p0 $0xFFFFFFFF, s12;
	s18 =	smul.u32 @!p0 $0x4E200, s11  }
0x1c: {  	s31 =	sadd.s32 $0xFFFFFFFF, s12;
	s17 =	sshll.u32 @!p0 s17, $0xE;
	s15 =	ssub.s32 @!p0 s15, s16  }
0x1d: {  	s16 =	sand.u32 @!p0 $0x4000, s17;
	s17 =	sadd.s32 @!p0 s6, s18;
	s15 =	sshll.u32 @!p0 s15, $0x4  }
0x1e: {  	s18 =	simm.s32 @!p0 $0x271000;
	s15 =	sadd.s32 @!p0 s15, s17;
	s17 =	simm.s32 @!p0 $0x1000  }
0x1f: {  	[tilespmem:s16], [sflag:$0x1] =	stream.strided.gather @!p0 [hbm4b:s15+s17], $0x4000, s18, s17, $0x38;
	[tilespmem:$0x10000] =	vst v63  }
0x20: {  	p0 =	sge.u32 s31, s5  }
.Ltmp2:
0x21: {  	_ = 	snop;
	(pc) =	sbr.rel @p0 .LBB1_7-.Ltmp2, $1  }
0x22: {  	_ =	sdelay $0x3  }
0x23: {  	s16 =	sand.u32 $0x4000, s9  }
0x24: {  	_ =	swait.ge [sflag:s4], $0x4000;
	s18 =	sshll.u32 s12, $0xE;
	s15 =	sor.u32 $0x8040, s16  }
0x25: {  	s17 =	sor.u32 $0x40, s16;
	[sflag:s4] =	ssyncset.done $0x0;
	s31 =	sand.u32 $0x4000, s18  }
0x26: {  	s18 =	simm.s32 $0x0;
	[sflag:s4] =	ssyncadd.s32 $0xFFFFC000;
	s16 =	sor.u32 $0x8000, s31  }
.LBB1_3:
0x27: {  	v0 =	vmov s17;
	_ =	sdelay $0x3  }
0x28: {  	s20 =	simm.s32 $0x0  }
0x29: {  	v6 =	vld.idx.msk [tilespmem:v0+s20+$0x30 ss:$0x1], $0xffff  }
0x2a: {  	v7 =	vld.idx.msk [tilespmem:v0+s20+$0xFFFFFFC0 ss:$0x1], $0xffff  }
0x2b: {  	v5 =	vld.idx.msk [tilespmem:v0+s20+$0xFFFFFFD0 ss:$0x1], $0xffff  }
0x2c: {  	v4 =	vld.idx.msk [tilespmem:v0+s20+$0xFFFFFFE0 ss:$0x1], $0xffff  }
0x2d: {  	v3 =	vld.idx.msk [tilespmem:v0+s20+$0xFFFFFFF0 ss:$0x1], $0xffff  }
0x2e: {  	v1 =	vld.idx.msk [tilespmem:v0+s20+$0x0 ss:$0x1], $0xffff  }
0x2f: {  	v2 =	vld.idx.msk [tilespmem:v0+s20+$0x10 ss:$0x1], $0xffff;
	[tilespmem:s15+$0x30] =	vst v6  }
0x30: {  	s19 =	simm.s32 $0x80;
	s21 =	simm.s32 $0x400;
	[tilespmem:s15+$0xFFFFFFC0] =	vst v7;
	v6 =	vld.idx.msk [tilespmem:v0+s20+$0x20 ss:$0x1], $0xffff;
	s20 =	smov.u32 s15  }
.LBB1_4:
0x31: {  	p0 =	sne.s32 s21, $0x3E00;
	v7 =	vld.idx.msk [tilespmem:v0+s19+$0x30 ss:$0x1], $0xffff;
	[tilespmem:s20+$0xFFFFFFD0] =	vst v5  }
0x32: {  	v8 =	vld.idx.msk [tilespmem:v0+s19+$0xFFFFFFC0 ss:$0x1], $0xffff;
	[tilespmem:s20+$0xFFFFFFE0] =	vst v4  }
0x33: {  	v5 =	vld.idx.msk [tilespmem:v0+s19+$0xFFFFFFD0 ss:$0x1], $0xffff;
	[tilespmem:s20+$0xFFFFFFF0] =	vst v3  }
.Ltmp3:
0x34: {  	v4 =	vld.idx.msk [tilespmem:v0+s19+$0xFFFFFFE0 ss:$0x1], $0xffff;
	[tilespmem:s20+$0x0] =	vst v1;
	(pc) =	sbr.rel @p0 .LBB1_4-.Ltmp3, $4  }
0x35: {  	v3 =	vld.idx.msk [tilespmem:v0+s19+$0xFFFFFFF0 ss:$0x1], $0xffff;
	[tilespmem:s20+$0x10] =	vst v2  }
0x36: {  	v1 =	vld.idx.msk [tilespmem:v0+s19+$0x0 ss:$0x1], $0xffff;
	[tilespmem:s20+$0x20] =	vst v6;
	s20 =	sadd.s32 $0x200, s20  }
0x37: {  	v2 =	vld.idx.msk [tilespmem:v0+s19+$0x10 ss:$0x1], $0xffff;
	[tilespmem:s20+$0x30] =	vst v7  }
0x38: {  	[tilespmem:s20+$0xFFFFFFC0] =	vst v8;
	v6 =	vld.idx.msk [tilespmem:v0+s19+$0x20 ss:$0x1], $0xffff;
	s19 =	sshra.s32 s21, $0x2;
	s21 =	sadd.s32 $0x200, s21  }
0x39: {  	_ =	sdelay $0x2  }
0x3a: {  	[tilespmem:s20+$0xFFFFFFD0] =	vst v5  }
0x3b: {  	v56 =	vld.idx.msk [tilespmem:v0+s19+$0x30 ss:$0x1], $0xffff;
	[tilespmem:s20+$0xFFFFFFE0] =	vst v4  }
0x3c: {  	v57 =	vld.idx.msk [tilespmem:v0+s19+$0xFFFFFFC0 ss:$0x1], $0xffff;
	[tilespmem:s20+$0xFFFFFFF0] =	vst v3  }
0x3d: {  	v58 =	vld.idx.msk [tilespmem:v0+s19+$0xFFFFFFD0 ss:$0x1], $0xffff;
	[tilespmem:s20+$0x0] =	vst v1  }
0x3e: {  	v59 =	vld.idx.msk [tilespmem:v0+s19+$0xFFFFFFE0 ss:$0x1], $0xffff;
	[tilespmem:s20+$0x10] =	vst v2  }
0x3f: {  	v60 =	vld.idx.msk [tilespmem:v0+s19+$0xFFFFFFF0 ss:$0x1], $0xffff;
	s31 =	sadd.s32 $0x200, s20;
	[tilespmem:s20+$0x20] =	vst v6  }
0x40: {  	v61 =	vld.idx.msk [tilespmem:v0+s19+$0x0 ss:$0x1], $0xffff;
	[tilespmem:s31+$0x30] =	vst v56  }
0x41: {  	v62 =	vld.idx.msk [tilespmem:v0+s19+$0x10 ss:$0x1], $0xffff;
	s18 =	sadd.s32 $0x1, s18;
	[tilespmem:s31+$0xFFFFFFC0] =	vst v57  }
0x42: {  	v63 =	vld.idx.msk [tilespmem:v0+s19+$0x20 ss:$0x1], $0xffff;
	p0 =	sne.s32 s18, $0x4;
	[tilespmem:s31+$0xFFFFFFD0] =	vst v58  }
.Ltmp4:
0x43: {  	[tilespmem:s31+$0xFFFFFFE0] =	vst v59;
	(pc) =	sbr.rel @p0 .LBB1_3-.Ltmp4, $4  }
0x44: {  	[tilespmem:s31+$0xFFFFFFF0] =	vst v60  }
0x45: {  	[tilespmem:s31+$0x0] =	vst v61  }
0x46: {  	[tilespmem:s31+$0x10] =	vst v62  }
0x47: {  	s15 =	sadd.s32 $0x80, s15;
	s17 =	sadd.s32 $0x1000, s17;
	[tilespmem:s31+$0x20] =	vst v63  }
.Ltmp5:
0x48: {  	s14 =	sshll.u32 s14, $0x4;
	(pc) =	sbr.rel .LBB1_7-.Ltmp5, $4  }
0x49: {  	s14 =	sand.u32 $0x30, s14  }
0x4a: {  	s13 =	sshll.u32 s13, $0x6;
	s14 =	sadd.s32 s3, s14  }
0x4b: {  	s13 =	sadd.s32 s13, s14  }
0x4c: {  	[hbm4b:s13+s8] =	stream.linear.scatter [tilespmem:s16], [sflag:$0x2], $0x4000, $0x38;
	[tilespmem:$0x10000] =	vst v63  }
.LBB1_8:
0x4d: {  	_ =	sfence.sel $0x180000  }
0x4e: {  	s2 =	simm.s32 $0x1;
	[bflag:$0x0] =	sbarrier.arrive $0xFFFF  }
0x4f: {  	s31 =	simm.s32 $0x2;
	[sflag:s2] =	ssyncpa.u1 $0x1  }
0x50: {  	[sflag:s31] =	ssyncpa.u1 $0x1  }
0x51: {  	p0 =	sne.s32 s0, $0x0;
	_ =	strace $0x9000004A  }
0x52: {  	s0 =	sadd.s32 @!p0 $0x100000, s1;
	[bflag:$0x2] =	sbarrier.arrive $0xFFFF  }
0x53: {  	[sflag:s0] =	ssyncadd.tile.s32 @!p0 $0x1;
	_ =	shalt  }
.Lfunc_end1:
_tile_overlayer_lowered:
.L_overlay_start_2:
0x54: {  	(tag) =	ssettag $0x2  }
0x55: {  	s0 =	rddreg [dreg:$0x0];
	s2 =	stileid.u32  }
0x56: {  	s1 =	rddreg [dreg:$0x1];
	p0 =	sne.s32 s2, $0x0  }
0x57: {  	s3 =	rddreg [dreg:$0x2];
	[bflag:$0x3] =	sbarrier.arrive $0xFFFF;
	s2 =	simm.s32 @!p0 $0x1C01  }
0x58: {  	[timem:s3], [sflag:s2] =	dma.local @!p0 [hbm:s0], s1  }
0x59: {  	s0 =	simm.s32 @!p0 $0x1  }
0x5a: {  	_ =	swait.ge @!p0 [sflag:s0], s1  }
0x5b: {  	s1 =	ssub.s32 @!p0 $0x0, s1;
	[sflag:s0] =	ssyncset.done @!p0 $0x0  }
0x5c: {  	[sflag:s0] =	ssyncadd.s32 @!p0 s1  }
0x5d: {  	[bflag:$0x3] =	sbarrier.arrive $0xFFFF  }
0x5e: {  	_ =	shalt  }

</sc_bundles>
